<compile_context>
chip_gen: v7x
topology: tpu7x:2x2x1
jax: 0.10.2.dev20260603
libtpu: 0.0.44.dev20260713+nightly
codegen_flags: <defaults>
</compile_context>

<pallas_src>
import functools

import jax
import jax.numpy as jnp
from jax import lax
from jax.experimental import pallas as pl
from jax.experimental.pallas import tpu as pltpu
from jax.experimental.pallas import tpu_sc as plsc

NUM_LAYERS = 12
PER_LAYER_DIM = 64
D = NUM_LAYERS * PER_LAYER_DIM
NBATCH = 4
SEQ = 2048
B_TOTAL = NBATCH * SEQ
NW = 32
B_PER_W = B_TOTAL // NW
CHUNK = 128
NCHUNK = B_PER_W // CHUNK
LANES = 16
SCALE = float(PER_LAYER_DIM) ** 0.5

_mesh = plsc.VectorSubcoreMesh(core_axis_name="c", subcore_axis_name="s")


@functools.partial(
    pl.kernel,
    out_type=jax.ShapeDtypeStruct((NBATCH, NUM_LAYERS, PER_LAYER_DIM, SEQ), jnp.float32),
    mesh=_mesh,
    compiler_params=pltpu.CompilerParams(needs_layout_passes=False),
    scratch_types=[
        pltpu.VMEM((NCHUNK, CHUNK), jnp.int32),
        pltpu.VMEM((CHUNK, D), jnp.float32),
        pltpu.VMEM((PER_LAYER_DIM, CHUNK), jnp.float32),
        pltpu.VMEM((PER_LAYER_DIM, CHUNK), jnp.float32),
        pltpu.SemaphoreType.DMA,
        pltpu.SemaphoreType.DMA,
        pltpu.SemaphoreType.DMA,
    ],
)
def _embed(ids_hbm, table_hbm, out_phys, idx_v, rows, st0, st1, gsem, ssem0, ssem1):
    wid = lax.axis_index("s") * 2 + lax.axis_index("c")
    bb = wid // 8
    tw = (wid % 8) * B_PER_W

    pltpu.sync_copy(ids_hbm.at[pl.ds(wid * NCHUNK, NCHUNK)], idx_v)

    itoa = lax.iota(jnp.int32, 16)

    sts = (st0, st1)
    ssems = (ssem0, ssem1)

    def transpose_layer(l, st):
        @pl.loop(0, CHUNK // 16)
        def _t(T):
            tb = T * 16

            @plsc.parallel_loop(0, 16, unroll=4)
            def _s(s):
                rotv = (itoa + s) & 15
                rowv = tb + rotv
                for dd in range(4):
                    dvec = dd * 16 + itoa
                    colv = l * PER_LAYER_DIM + dvec
                    v = plsc.load_gather(rows, [rowv, colv]) * SCALE
                    plsc.store_scatter(st, [dvec, rowv], v)

    def drain(st, sem):
        pltpu.make_async_copy(out_phys.at[0, 0, :, pl.ds(0, CHUNK)], st, sem).wait()




    @pl.loop(0, NCHUNK)
    def _chunk(c):
        g = pltpu.async_copy(table_hbm.at[idx_v.at[c]], rows, gsem)

        @pl.when(c > 0)
        def _():
            drain(st0, ssem0)
            drain(st1, ssem1)

        g.wait()
        tslice = pl.ds(tw + c * CHUNK, CHUNK)

        @pl.loop(0, NUM_LAYERS // 2)
        def _pair(p):
            for half in range(2):
                l = p * 2 + half

                @pl.when(p > 0)
                def _():
                    drain(sts[half], ssems[half])

                transpose_layer(l, sts[half])
                pltpu.async_copy(sts[half], out_phys.at[bb, l, :, tslice], ssems[half])

    drain(st0, ssem0)
    drain(st1, ssem1)


def kernel(input_ids, table):
    ids = input_ids.reshape(NW * NCHUNK, CHUNK).astype(jnp.int32)
    out_phys = _embed(ids, table)
    return jnp.transpose(out_phys, (0, 3, 1, 2))

# --- scband reference (transcript-rebuilt; emitter-appended) ---
"""Pipeline reference for scband-per-layer-embedding-6863357739269 (READ-ONLY COPY).

The authoritative reference and input builder live on the scoring server;
editing this copy changes nothing except your own understanding.
"""

import jax, jax.numpy as jnp
import numpy as np

VOCAB_SIZE = 100000
NUM_LAYERS = 12
PER_LAYER_DIM = 64
PADDING_IDX = 0


def setup_inputs(seed: int = 0) -> dict:
    key = jax.random.key(seed)
    k1, k2 = jax.random.split(key)
    input_ids = jax.random.randint(k1, (4, 2048), 0, VOCAB_SIZE, dtype=jnp.int64 if jax.config.jax_enable_x64 else jnp.int32)
    table = jax.random.normal(k2, (VOCAB_SIZE, NUM_LAYERS * PER_LAYER_DIM), dtype=jnp.float32)
    # padding_idx row is zero in nn.Embedding
    table = table.at[PADDING_IDX].set(0.0)
    return {"input_ids": input_ids, "table": table}


def reference(input_ids, table):
    embed_scale = PER_LAYER_DIM ** 0.5
    clamped_ids = jnp.clip(input_ids, 0, VOCAB_SIZE - 1)
    # enforce padding_idx semantics (row is zero)
    table_eff = table.at[PADDING_IDX].set(0.0)
    embeddings = jnp.take(table_eff, clamped_ids, axis=0) * embed_scale
    return embeddings.reshape(input_ids.shape[0], input_ids.shape[1], NUM_LAYERS, PER_LAYER_DIM)

if __name__ == "__main__":
    import jax
    _d = setup_inputs()
    print(jax.jit(kernel)(*tuple(_d.values())))

</pallas_src>

<mosaic_0001>
#map = affine_map<(d0, d1) -> (0, 0)>
#map1 = affine_map<(d0, d1) -> (0, 0, 0, 0)>
module attributes {stable_mosaic.version = 14 : i64} {
  func.func @_embed(%arg0: i32, %arg1: i32, %arg2: memref<64x128xi32, #tpu.memory_space<hbm>>, %arg3: memref<100000x768xf32, #tpu.memory_space<hbm>>, %arg4: memref<4x12x64x2048xf32, #tpu.memory_space<hbm>>, %arg5: memref<2x128xi32, #tpu.memory_space<vmem>>, %arg6: memref<128x768xf32, #tpu.memory_space<vmem>>, %arg7: memref<64x128xf32, #tpu.memory_space<vmem>>, %arg8: memref<64x128xf32, #tpu.memory_space<vmem>>, %arg9: memref<!tpu.dma_semaphore, #tpu.memory_space<semaphore_mem>>, %arg10: memref<!tpu.dma_semaphore, #tpu.memory_space<semaphore_mem>>, %arg11: memref<!tpu.dma_semaphore, #tpu.memory_space<semaphore_mem>>) attributes {dimension_semantics = [#tpu.dimension_semantics<core_parallel>, #tpu.dimension_semantics<subcore_parallel>], iteration_bounds = array<i64: 2, 16>, scalar_prefetch = 0 : i64, scratch_operands = 7 : i64, tpu.core_type = #tpu.core_type<sc_vector_subcore>, window_params = [{transform_indices = #map}, {transform_indices = #map}, {transform_indices = #map1}]} {
    %mul3A = arith.constant 2 : i32
    %mul3A_0 = arith.muli %arg1, %mul3A : i32
    %add3A = arith.addi %mul3A_0, %arg0 : i32
    %jit3A = arith.constant 8 : i32
    %div3A = arith.divsi %add3A, %jit3A : i32
    %sign3A = arith.constant 0 : i32
    %sign3A_1 = arith.cmpi sgt, %add3A, %sign3A : i32
    %sign3A_2 = arith.extui %sign3A_1 : i1 to i32
    %sign3A_3 = arith.constant 0 : i32
    %sign3A_4 = arith.cmpi slt, %add3A, %sign3A_3 : i32
    %sign3A_5 = arith.extui %sign3A_4 : i1 to i32
    %sign3A_6 = arith.subi %sign3A_2, %sign3A_5 : i32
    %sign3A_7 = arith.constant 0 : i32
    %sign3A_8 = arith.cmpi sgt, %jit3A, %sign3A_7 : i32
    %sign3A_9 = arith.extui %sign3A_8 : i1 to i32
    %sign3A_10 = arith.constant 0 : i32
    %sign3A_11 = arith.cmpi slt, %jit3A, %sign3A_10 : i32
    %sign3A_12 = arith.extui %sign3A_11 : i1 to i32
    %sign3A_13 = arith.subi %sign3A_9, %sign3A_12 : i32
    %ne3A = arith.cmpi ne, %sign3A_6, %sign3A_13 : i32
    %rem3A = arith.remsi %add3A, %jit3A : i32
    %ne3A_14 = arith.constant 0 : i32
    %ne3A_15 = arith.cmpi ne, %rem3A, %ne3A_14 : i32
    %and3A = arith.andi %ne3A, %ne3A_15 : i1
    %sub3A = arith.constant 1 : i32
    %sub3A_16 = arith.subi %div3A, %sub3A : i32
    %select_n3A = arith.select %and3A, %sub3A_16, %div3A : i32
    %jit3A_17 = arith.constant 8 : i32
    %eq3A = arith.constant 0 : i32
    %eq3A_18 = arith.cmpi eq, %jit3A_17, %eq3A : i32
    %jit3A_19 = arith.constant 1 : i32
    %select_n3A_20 = arith.select %eq3A_18, %jit3A_19, %jit3A_17 : i32
    %rem3A_21 = arith.remsi %add3A, %select_n3A_20 : i32
    %ne3A_22 = arith.constant 0 : i32
    %ne3A_23 = arith.cmpi ne, %rem3A_21, %ne3A_22 : i32
    %lt3A = arith.constant 0 : i32
    %lt3A_24 = arith.cmpi slt, %rem3A_21, %lt3A : i32
    %lt3A_25 = arith.constant 0 : i32
    %lt3A_26 = arith.cmpi slt, %select_n3A_20, %lt3A_25 : i32
    %ne3A_27 = arith.xori %lt3A_24, %lt3A_26 : i1
    %and3A_28 = arith.andi %ne3A_27, %ne3A_23 : i1
    %add3A_29 = arith.addi %rem3A_21, %select_n3A_20 : i32
    %select_n3A_30 = arith.select %and3A_28, %add3A_29, %rem3A_21 : i32
    %mul3A_31 = arith.constant 256 : i32
    %mul3A_32 = arith.muli %select_n3A_30, %mul3A_31 : i32
    %mul3A_33 = arith.constant 2 : i32
    %mul3A_34 = arith.muli %add3A, %mul3A_33 : i32
    "tpu.region"() ({
      %run_scoped3A = tpu.sem_alloc : memref<!tpu.dma_semaphore, #tpu.memory_space<semaphore_mem>>
      %dma_start3A = arith.constant 0 : i32
      %dma_start3A_58 = tpu.memref_slice %arg2[%mul3A_34, %dma_start3A] : memref<64x128xi32, #tpu.memory_space<hbm>> -> memref<2x128xi32, #tpu.memory_space<hbm>>
      %dma_start3A_59 = arith.constant 0 : i32
      %dma_start3A_60 = tpu.memref_slice %arg2[%mul3A_34, %dma_start3A_59] : memref<64x128xi32, #tpu.memory_space<hbm>> -> memref<2x128xi32, #tpu.memory_space<hbm>>
      tpu.enqueue_dma source(%dma_start3A_60 : memref<2x128xi32, #tpu.memory_space<hbm>>) target(%arg5 : memref<2x128xi32, #tpu.memory_space<vmem>>) target_semaphore(%run_scoped3A : memref<!tpu.dma_semaphore, #tpu.memory_space<semaphore_mem>>)
      %dma_wait3A_61 = arith.constant 0 : i32
      %dma_wait3A_62 = tpu.memref_slice %arg2[%mul3A_34, %dma_wait3A_61] : memref<64x128xi32, #tpu.memory_space<hbm>> -> memref<2x128xi32, #tpu.memory_space<hbm>>
      %dma_wait3A_63 = arith.constant 0 : i32
      %dma_wait3A_64 = tpu.memref_slice %arg2[%mul3A_34, %dma_wait3A_63] : memref<64x128xi32, #tpu.memory_space<hbm>> -> memref<2x128xi32, #tpu.memory_space<hbm>>
      tpu.wait_dma2 semaphore(%run_scoped3A : memref<!tpu.dma_semaphore, #tpu.memory_space<semaphore_mem>>) src(%dma_wait3A_64 : memref<2x128xi32, #tpu.memory_space<hbm>>) dst(%arg5 : memref<2x128xi32, #tpu.memory_space<vmem>>)
      tpu.yield
    }) : () -> ()
    %iota3A = tpu.iota {dimensions = array<i32: 0>} : vector<16xi32>
    %scan3A = arith.constant 0 : i32
    %scan3A_35 = arith.constant 2 : i32
    %scan3A_36 = arith.addi %scan3A, %scan3A_35 : i32
    %scan3A_37 = arith.constant 1 : i32
    scf.for %scan3A_58 = %scan3A to %scan3A_36 step %scan3A_37  : i32 {
      %mul3A_59 = arith.constant 1 : i32
      %mul3A_60 = arith.muli %scan3A_58, %mul3A_59 : i32
      %add3A_61 = arith.constant 0 : i32
      %add3A_62 = arith.addi %add3A_61, %mul3A_60 : i32
      %dma_start3A = arith.constant 0 : i32
      %dma_start3A_63 = tpu.memref_slice %arg5[%add3A_62, %dma_start3A] : memref<2x128xi32, #tpu.memory_space<vmem>> -> memref<1x128xi32, #tpu.memory_space<vmem>>
      %dma_start3A_64 = tpu.memref_squeeze %dma_start3A_63 : memref<1x128xi32, #tpu.memory_space<vmem>> -> memref<128xi32, #tpu.memory_space<vmem>>
      %dma_start3A_65 = arith.constant 0 : i32
      %dma_start3A_66 = arith.constant 0 : i32
      %dma_start3A_67 = tpu.memref_slice %arg3[%dma_start3A_65, %dma_start3A_66] : memref<100000x768xf32, #tpu.memory_space<hbm>> -> memref<100000x768xf32, #tpu.memory_space<hbm>>
      tpu.enqueue_indirect_dma source(%dma_start3A_67 : memref<100000x768xf32, #tpu.memory_space<hbm>>) target(%arg6 : memref<128x768xf32, #tpu.memory_space<vmem>>) offsets(%dma_start3A_64 : memref<128xi32, #tpu.memory_space<vmem>>) semaphore(%arg9 : memref<!tpu.dma_semaphore, #tpu.memory_space<semaphore_mem>>)
      %gt3A = arith.constant 0 : i32
      %gt3A_68 = arith.cmpi sgt, %add3A_62, %gt3A : i32
      %convert_element_type3A = arith.extui %gt3A_68 : i1 to i32
      %cond3A = arith.constant 0 : i32
      %cond3A_69 = arith.cmpi ne, %convert_element_type3A, %cond3A : i32
      scf.if %cond3A_69 {
        %dma_wait3A_84 = arith.constant 0 : i32
        %dma_wait3A_85 = arith.constant 0 : i32
        %dma_wait3A_86 = arith.constant 0 : i32
        %dma_wait3A_87 = arith.constant 0 : i32
        %dma_wait3A_88 = tpu.memref_slice %arg4[%dma_wait3A_84, %dma_wait3A_85, %dma_wait3A_86, %dma_wait3A_87] : memref<4x12x64x2048xf32, #tpu.memory_space<hbm>> -> memref<1x1x64x128xf32, #tpu.memory_space<hbm>>
        %dma_wait3A_89 = tpu.memref_squeeze %dma_wait3A_88 : memref<1x1x64x128xf32, #tpu.memory_space<hbm>> -> memref<64x128xf32, #tpu.memory_space<hbm>>
        %dma_wait3A_90 = arith.constant 0 : i32
        %dma_wait3A_91 = arith.constant 0 : i32
        %dma_wait3A_92 = tpu.memref_slice %arg4[%dma_wait3A_84, %dma_wait3A_85, %dma_wait3A_90, %dma_wait3A_91] : memref<4x12x64x2048xf32, #tpu.memory_space<hbm>> -> memref<1x1x64x128xf32, #tpu.memory_space<hbm>>
        %dma_wait3A_93 = tpu.memref_squeeze %dma_wait3A_92 : memref<1x1x64x128xf32, #tpu.memory_space<hbm>> -> memref<64x128xf32, #tpu.memory_space<hbm>>
        tpu.wait_dma2 semaphore(%arg10 : memref<!tpu.dma_semaphore, #tpu.memory_space<semaphore_mem>>) src(%dma_wait3A_93 : memref<64x128xf32, #tpu.memory_space<hbm>>) dst(%arg7 : memref<64x128xf32, #tpu.memory_space<vmem>>)
        %dma_wait3A_94 = arith.constant 0 : i32
        %dma_wait3A_95 = arith.constant 0 : i32
        %dma_wait3A_96 = arith.constant 0 : i32
        %dma_wait3A_97 = arith.constant 0 : i32
        %dma_wait3A_98 = tpu.memref_slice %arg4[%dma_wait3A_94, %dma_wait3A_95, %dma_wait3A_96, %dma_wait3A_97] : memref<4x12x64x2048xf32, #tpu.memory_space<hbm>> -> memref<1x1x64x128xf32, #tpu.memory_space<hbm>>
        %dma_wait3A_99 = tpu.memref_squeeze %dma_wait3A_98 : memref<1x1x64x128xf32, #tpu.memory_space<hbm>> -> memref<64x128xf32, #tpu.memory_space<hbm>>
        %dma_wait3A_100 = arith.constant 0 : i32
        %dma_wait3A_101 = arith.constant 0 : i32
        %dma_wait3A_102 = tpu.memref_slice %arg4[%dma_wait3A_94, %dma_wait3A_95, %dma_wait3A_100, %dma_wait3A_101] : memref<4x12x64x2048xf32, #tpu.memory_space<hbm>> -> memref<1x1x64x128xf32, #tpu.memory_space<hbm>>
        %dma_wait3A_103 = tpu.memref_squeeze %dma_wait3A_102 : memref<1x1x64x128xf32, #tpu.memory_space<hbm>> -> memref<64x128xf32, #tpu.memory_space<hbm>>
        tpu.wait_dma2 semaphore(%arg11 : memref<!tpu.dma_semaphore, #tpu.memory_space<semaphore_mem>>) src(%dma_wait3A_103 : memref<64x128xf32, #tpu.memory_space<hbm>>) dst(%arg8 : memref<64x128xf32, #tpu.memory_space<vmem>>)
      } else {
      }
      %dma_wait3A_70 = arith.constant 0 : i32
      %dma_wait3A_71 = tpu.memref_slice %arg5[%add3A_62, %dma_wait3A_70] : memref<2x128xi32, #tpu.memory_space<vmem>> -> memref<1x128xi32, #tpu.memory_space<vmem>>
      %dma_wait3A_72 = tpu.memref_squeeze %dma_wait3A_71 : memref<1x128xi32, #tpu.memory_space<vmem>> -> memref<128xi32, #tpu.memory_space<vmem>>
      %dma_wait3A_73 = arith.constant 0 : i32
      %dma_wait3A_74 = arith.constant 0 : i32
      %dma_wait3A_75 = tpu.memref_slice %arg3[%dma_wait3A_73, %dma_wait3A_74] : memref<100000x768xf32, #tpu.memory_space<hbm>> -> memref<100000x768xf32, #tpu.memory_space<hbm>>
      tpu.wait_indirect_dma semaphore(%arg9 : memref<!tpu.dma_semaphore, #tpu.memory_space<semaphore_mem>>) src(%dma_wait3A_75 : memref<100000x768xf32, #tpu.memory_space<hbm>>) dst(%arg6 : memref<128x768xf32, #tpu.memory_space<vmem>>)
      %mul3A_76 = arith.constant 128 : i32
      %mul3A_77 = arith.muli %add3A_62, %mul3A_76 : i32
      %add3A_78 = arith.addi %mul3A_32, %mul3A_77 : i32
      %scan3A_79 = arith.constant 0 : i32
      %scan3A_80 = arith.constant 6 : i32
      %scan3A_81 = arith.addi %scan3A_79, %scan3A_80 : i32
      %scan3A_82 = arith.constant 1 : i32
      scf.for %scan3A_84 = %scan3A_79 to %scan3A_81 step %scan3A_82  : i32 {
        %mul3A_85 = arith.constant 1 : i32
        %mul3A_86 = arith.muli %scan3A_84, %mul3A_85 : i32
        %add3A_87 = arith.constant 0 : i32
        %add3A_88 = arith.addi %add3A_87, %mul3A_86 : i32
        %mul3A_89 = arith.constant 2 : i32
        %mul3A_90 = arith.muli %add3A_88, %mul3A_89 : i32
        %add3A_91 = arith.constant 0 : i32
        %add3A_92 = arith.addi %mul3A_90, %add3A_91 : i32
        %gt3A_93 = arith.constant 0 : i32
        %gt3A_94 = arith.cmpi sgt, %add3A_88, %gt3A_93 : i32
        %convert_element_type3A_95 = arith.extui %gt3A_94 : i1 to i32
        %cond3A_96 = arith.constant 0 : i32
        %cond3A_97 = arith.cmpi ne, %convert_element_type3A_95, %cond3A_96 : i32
        scf.if %cond3A_97 {
          %dma_wait3A_129 = arith.constant 0 : i32
          %dma_wait3A_130 = arith.constant 0 : i32
          %dma_wait3A_131 = arith.constant 0 : i32
          %dma_wait3A_132 = arith.constant 0 : i32
          %dma_wait3A_133 = tpu.memref_slice %arg4[%dma_wait3A_129, %dma_wait3A_130, %dma_wait3A_131, %dma_wait3A_132] : memref<4x12x64x2048xf32, #tpu.memory_space<hbm>> -> memref<1x1x64x128xf32, #tpu.memory_space<hbm>>
          %dma_wait3A_134 = tpu.memref_squeeze %dma_wait3A_133 : memref<1x1x64x128xf32, #tpu.memory_space<hbm>> -> memref<64x128xf32, #tpu.memory_space<hbm>>
          %dma_wait3A_135 = arith.constant 0 : i32
          %dma_wait3A_136 = arith.constant 0 : i32
          %dma_wait3A_137 = tpu.memref_slice %arg4[%dma_wait3A_129, %dma_wait3A_130, %dma_wait3A_135, %dma_wait3A_136] : memref<4x12x64x2048xf32, #tpu.memory_space<hbm>> -> memref<1x1x64x128xf32, #tpu.memory_space<hbm>>
          %dma_wait3A_138 = tpu.memref_squeeze %dma_wait3A_137 : memref<1x1x64x128xf32, #tpu.memory_space<hbm>> -> memref<64x128xf32, #tpu.memory_space<hbm>>
          tpu.wait_dma2 semaphore(%arg10 : memref<!tpu.dma_semaphore, #tpu.memory_space<semaphore_mem>>) src(%dma_wait3A_138 : memref<64x128xf32, #tpu.memory_space<hbm>>) dst(%arg7 : memref<64x128xf32, #tpu.memory_space<vmem>>)
        } else {
        }
        %scan3A_98 = arith.constant 0 : i32
        %scan3A_99 = arith.constant 8 : i32
        %scan3A_100 = arith.addi %scan3A_98, %scan3A_99 : i32
        %scan3A_101 = arith.constant 1 : i32
        scf.for %scan3A_129 = %scan3A_98 to %scan3A_100 step %scan3A_101  : i32 {
          %mul3A_130 = arith.constant 1 : i32
          %mul3A_131 = arith.muli %scan3A_129, %mul3A_130 : i32
          %add3A_132 = arith.constant 0 : i32
          %add3A_133 = arith.addi %add3A_132, %mul3A_131 : i32
          %mul3A_134 = arith.constant 16 : i32
          %mul3A_135 = arith.muli %add3A_133, %mul3A_134 : i32
          %parallel_loop3A = arith.constant 0 : i32
          %parallel_loop3A_136 = arith.constant 16 : i32
          %parallel_loop3A_137 = arith.constant 1 : i32
          scf.for %parallel_loop3A_138 = %parallel_loop3A to %parallel_loop3A_136 step %parallel_loop3A_137  : i32 {
            %parallel_loop3A_139 = vector.broadcast %parallel_loop3A_138 : i32 to vector<16xi32>
            %parallel_loop3A_140 = arith.addi %iota3A, %parallel_loop3A_139 : vector<16xi32>
            %parallel_loop3A_141 = arith.constant 15 : i32
            %parallel_loop3A_142 = vector.broadcast %parallel_loop3A_141 : i32 to vector<16xi32>
            %parallel_loop3A_143 = arith.andi %parallel_loop3A_140, %parallel_loop3A_142 : vector<16xi32>
            %parallel_loop3A_144 = vector.broadcast %mul3A_135 : i32 to vector<16xi32>
            %parallel_loop3A_145 = arith.addi %parallel_loop3A_144, %parallel_loop3A_143 : vector<16xi32>
            %parallel_loop3A_146 = arith.constant 0 : i32
            %parallel_loop3A_147 = vector.broadcast %parallel_loop3A_146 : i32 to vector<16xi32>
            %parallel_loop3A_148 = arith.addi %parallel_loop3A_147, %iota3A : vector<16xi32>
            %parallel_loop3A_149 = arith.constant 64 : i32
            %parallel_loop3A_150 = arith.muli %add3A_92, %parallel_loop3A_149 : i32
            %parallel_loop3A_151 = vector.broadcast %parallel_loop3A_150 : i32 to vector<16xi32>
            %parallel_loop3A_152 = arith.addi %parallel_loop3A_151, %parallel_loop3A_148 : vector<16xi32>
            %parallel_loop3A_153 = tpu.vector_load_idx %arg6[%parallel_loop3A_145, %parallel_loop3A_152] : memref<128x768xf32, #tpu.memory_space<vmem>>[vector<16xi32>, vector<16xi32>], vector<16xf32>,
            %parallel_loop3A_154 = arith.constant 8.000000e+00 : f32
            %parallel_loop3A_155 = vector.broadcast %parallel_loop3A_154 : f32 to vector<16xf32>
            %parallel_loop3A_156 = arith.mulf %parallel_loop3A_153, %parallel_loop3A_155 : vector<16xf32>
            tpu.vector_store_idx %arg7[%parallel_loop3A_148, %parallel_loop3A_145], %parallel_loop3A_156 : memref<64x128xf32, #tpu.memory_space<vmem>>[vector<16xi32>, vector<16xi32>], vector<16xf32>,
            %parallel_loop3A_157 = arith.constant 16 : i32
            %parallel_loop3A_158 = vector.broadcast %parallel_loop3A_157 : i32 to vector<16xi32>
            %parallel_loop3A_159 = arith.addi %parallel_loop3A_158, %iota3A : vector<16xi32>
            %parallel_loop3A_160 = arith.constant 64 : i32
            %parallel_loop3A_161 = arith.muli %add3A_92, %parallel_loop3A_160 : i32
            %parallel_loop3A_162 = vector.broadcast %parallel_loop3A_161 : i32 to vector<16xi32>
            %parallel_loop3A_163 = arith.addi %parallel_loop3A_162, %parallel_loop3A_159 : vector<16xi32>
            %parallel_loop3A_164 = tpu.vector_load_idx %arg6[%parallel_loop3A_145, %parallel_loop3A_163] : memref<128x768xf32, #tpu.memory_space<vmem>>[vector<16xi32>, vector<16xi32>], vector<16xf32>,
            %parallel_loop3A_165 = arith.constant 8.000000e+00 : f32
            %parallel_loop3A_166 = vector.broadcast %parallel_loop3A_165 : f32 to vector<16xf32>
            %parallel_loop3A_167 = arith.mulf %parallel_loop3A_164, %parallel_loop3A_166 : vector<16xf32>
            tpu.vector_store_idx %arg7[%parallel_loop3A_159, %parallel_loop3A_145], %parallel_loop3A_167 : memref<64x128xf32, #tpu.memory_space<vmem>>[vector<16xi32>, vector<16xi32>], vector<16xf32>,
            %parallel_loop3A_168 = arith.constant 32 : i32
            %parallel_loop3A_169 = vector.broadcast %parallel_loop3A_168 : i32 to vector<16xi32>
            %parallel_loop3A_170 = arith.addi %parallel_loop3A_169, %iota3A : vector<16xi32>
            %parallel_loop3A_171 = arith.constant 64 : i32
            %parallel_loop3A_172 = arith.muli %add3A_92, %parallel_loop3A_171 : i32
            %parallel_loop3A_173 = vector.broadcast %parallel_loop3A_172 : i32 to vector<16xi32>
            %parallel_loop3A_174 = arith.addi %parallel_loop3A_173, %parallel_loop3A_170 : vector<16xi32>
            %parallel_loop3A_175 = tpu.vector_load_idx %arg6[%parallel_loop3A_145, %parallel_loop3A_174] : memref<128x768xf32, #tpu.memory_space<vmem>>[vector<16xi32>, vector<16xi32>], vector<16xf32>,
            %parallel_loop3A_176 = arith.constant 8.000000e+00 : f32
            %parallel_loop3A_177 = vector.broadcast %parallel_loop3A_176 : f32 to vector<16xf32>
            %parallel_loop3A_178 = arith.mulf %parallel_loop3A_175, %parallel_loop3A_177 : vector<16xf32>
            tpu.vector_store_idx %arg7[%parallel_loop3A_170, %parallel_loop3A_145], %parallel_loop3A_178 : memref<64x128xf32, #tpu.memory_space<vmem>>[vector<16xi32>, vector<16xi32>], vector<16xf32>,
            %parallel_loop3A_179 = arith.constant 48 : i32
            %parallel_loop3A_180 = vector.broadcast %parallel_loop3A_179 : i32 to vector<16xi32>
            %parallel_loop3A_181 = arith.addi %parallel_loop3A_180, %iota3A : vector<16xi32>
            %parallel_loop3A_182 = arith.constant 64 : i32
            %parallel_loop3A_183 = arith.muli %add3A_92, %parallel_loop3A_182 : i32
            %parallel_loop3A_184 = vector.broadcast %parallel_loop3A_183 : i32 to vector<16xi32>
            %parallel_loop3A_185 = arith.addi %parallel_loop3A_184, %parallel_loop3A_181 : vector<16xi32>
            %parallel_loop3A_186 = tpu.vector_load_idx %arg6[%parallel_loop3A_145, %parallel_loop3A_185] : memref<128x768xf32, #tpu.memory_space<vmem>>[vector<16xi32>, vector<16xi32>], vector<16xf32>,
            %parallel_loop3A_187 = arith.constant 8.000000e+00 : f32
            %parallel_loop3A_188 = vector.broadcast %parallel_loop3A_187 : f32 to vector<16xf32>
            %parallel_loop3A_189 = arith.mulf %parallel_loop3A_186, %parallel_loop3A_188 : vector<16xf32>
            tpu.vector_store_idx %arg7[%parallel_loop3A_181, %parallel_loop3A_145], %parallel_loop3A_189 : memref<64x128xf32, #tpu.memory_space<vmem>>[vector<16xi32>, vector<16xi32>], vector<16xf32>,
          } {sc.loop_unroll_factor = 4 : i64, sc.parallel_access}
        }
        %scan3A_102 = arith.constant 8 : i32
        %dma_start3A_103 = arith.constant 0 : i32
        %dma_start3A_104 = tpu.memref_slice %arg4[%select_n3A, %add3A_92, %dma_start3A_103, %add3A_78] : memref<4x12x64x2048xf32, #tpu.memory_space<hbm>> -> memref<1x1x64x128xf32, #tpu.memory_space<hbm>>
        %dma_start3A_105 = tpu.memref_squeeze %dma_start3A_104 : memref<1x1x64x128xf32, #tpu.memory_space<hbm>> -> memref<64x128xf32, #tpu.memory_space<hbm>>
        %dma_start3A_106 = arith.constant 0 : i32
        %dma_start3A_107 = tpu.memref_slice %arg4[%select_n3A, %add3A_92, %dma_start3A_106, %add3A_78] : memref<4x12x64x2048xf32, #tpu.memory_space<hbm>> -> memref<1x1x64x128xf32, #tpu.memory_space<hbm>>
        %dma_start3A_108 = tpu.memref_squeeze %dma_start3A_107 : memref<1x1x64x128xf32, #tpu.memory_space<hbm>> -> memref<64x128xf32, #tpu.memory_space<hbm>>
        tpu.enqueue_dma source(%arg7 : memref<64x128xf32, #tpu.memory_space<vmem>>) target(%dma_start3A_108 : memref<64x128xf32, #tpu.memory_space<hbm>>) target_semaphore(%arg10 : memref<!tpu.dma_semaphore, #tpu.memory_space<semaphore_mem>>)
        %mul3A_109 = arith.constant 2 : i32
        %mul3A_110 = arith.muli %add3A_88, %mul3A_109 : i32
        %add3A_111 = arith.constant 1 : i32
        %add3A_112 = arith.addi %mul3A_110, %add3A_111 : i32
        %gt3A_113 = arith.constant 0 : i32
        %gt3A_114 = arith.cmpi sgt, %add3A_88, %gt3A_113 : i32
        %convert_element_type3A_115 = arith.extui %gt3A_114 : i1 to i32
        %cond3A_116 = arith.constant 0 : i32
        %cond3A_117 = arith.cmpi ne, %convert_element_type3A_115, %cond3A_116 : i32
        scf.if %cond3A_117 {
          %dma_wait3A_129 = arith.constant 0 : i32
          %dma_wait3A_130 = arith.constant 0 : i32
          %dma_wait3A_131 = arith.constant 0 : i32
          %dma_wait3A_132 = arith.constant 0 : i32
          %dma_wait3A_133 = tpu.memref_slice %arg4[%dma_wait3A_129, %dma_wait3A_130, %dma_wait3A_131, %dma_wait3A_132] : memref<4x12x64x2048xf32, #tpu.memory_space<hbm>> -> memref<1x1x64x128xf32, #tpu.memory_space<hbm>>
          %dma_wait3A_134 = tpu.memref_squeeze %dma_wait3A_133 : memref<1x1x64x128xf32, #tpu.memory_space<hbm>> -> memref<64x128xf32, #tpu.memory_space<hbm>>
          %dma_wait3A_135 = arith.constant 0 : i32
          %dma_wait3A_136 = arith.constant 0 : i32
          %dma_wait3A_137 = tpu.memref_slice %arg4[%dma_wait3A_129, %dma_wait3A_130, %dma_wait3A_135, %dma_wait3A_136] : memref<4x12x64x2048xf32, #tpu.memory_space<hbm>> -> memref<1x1x64x128xf32, #tpu.memory_space<hbm>>
          %dma_wait3A_138 = tpu.memref_squeeze %dma_wait3A_137 : memref<1x1x64x128xf32, #tpu.memory_space<hbm>> -> memref<64x128xf32, #tpu.memory_space<hbm>>
          tpu.wait_dma2 semaphore(%arg11 : memref<!tpu.dma_semaphore, #tpu.memory_space<semaphore_mem>>) src(%dma_wait3A_138 : memref<64x128xf32, #tpu.memory_space<hbm>>) dst(%arg8 : memref<64x128xf32, #tpu.memory_space<vmem>>)
        } else {
        }
        %scan3A_118 = arith.constant 0 : i32
        %scan3A_119 = arith.constant 8 : i32
        %scan3A_120 = arith.addi %scan3A_118, %scan3A_119 : i32
        %scan3A_121 = arith.constant 1 : i32
        scf.for %scan3A_129 = %scan3A_118 to %scan3A_120 step %scan3A_121  : i32 {
          %mul3A_130 = arith.constant 1 : i32
          %mul3A_131 = arith.muli %scan3A_129, %mul3A_130 : i32
          %add3A_132 = arith.constant 0 : i32
          %add3A_133 = arith.addi %add3A_132, %mul3A_131 : i32
          %mul3A_134 = arith.constant 16 : i32
          %mul3A_135 = arith.muli %add3A_133, %mul3A_134 : i32
          %parallel_loop3A = arith.constant 0 : i32
          %parallel_loop3A_136 = arith.constant 16 : i32
          %parallel_loop3A_137 = arith.constant 1 : i32
          scf.for %parallel_loop3A_138 = %parallel_loop3A to %parallel_loop3A_136 step %parallel_loop3A_137  : i32 {
            %parallel_loop3A_139 = vector.broadcast %parallel_loop3A_138 : i32 to vector<16xi32>
            %parallel_loop3A_140 = arith.addi %iota3A, %parallel_loop3A_139 : vector<16xi32>
            %parallel_loop3A_141 = arith.constant 15 : i32
            %parallel_loop3A_142 = vector.broadcast %parallel_loop3A_141 : i32 to vector<16xi32>
            %parallel_loop3A_143 = arith.andi %parallel_loop3A_140, %parallel_loop3A_142 : vector<16xi32>
            %parallel_loop3A_144 = vector.broadcast %mul3A_135 : i32 to vector<16xi32>
            %parallel_loop3A_145 = arith.addi %parallel_loop3A_144, %parallel_loop3A_143 : vector<16xi32>
            %parallel_loop3A_146 = arith.constant 0 : i32
            %parallel_loop3A_147 = vector.broadcast %parallel_loop3A_146 : i32 to vector<16xi32>
            %parallel_loop3A_148 = arith.addi %parallel_loop3A_147, %iota3A : vector<16xi32>
            %parallel_loop3A_149 = arith.constant 64 : i32
            %parallel_loop3A_150 = arith.muli %add3A_112, %parallel_loop3A_149 : i32
            %parallel_loop3A_151 = vector.broadcast %parallel_loop3A_150 : i32 to vector<16xi32>
            %parallel_loop3A_152 = arith.addi %parallel_loop3A_151, %parallel_loop3A_148 : vector<16xi32>
            %parallel_loop3A_153 = tpu.vector_load_idx %arg6[%parallel_loop3A_145, %parallel_loop3A_152] : memref<128x768xf32, #tpu.memory_space<vmem>>[vector<16xi32>, vector<16xi32>], vector<16xf32>,
            %parallel_loop3A_154 = arith.constant 8.000000e+00 : f32
            %parallel_loop3A_155 = vector.broadcast %parallel_loop3A_154 : f32 to vector<16xf32>
            %parallel_loop3A_156 = arith.mulf %parallel_loop3A_153, %parallel_loop3A_155 : vector<16xf32>
            tpu.vector_store_idx %arg8[%parallel_loop3A_148, %parallel_loop3A_145], %parallel_loop3A_156 : memref<64x128xf32, #tpu.memory_space<vmem>>[vector<16xi32>, vector<16xi32>], vector<16xf32>,
            %parallel_loop3A_157 = arith.constant 16 : i32
            %parallel_loop3A_158 = vector.broadcast %parallel_loop3A_157 : i32 to vector<16xi32>
            %parallel_loop3A_159 = arith.addi %parallel_loop3A_158, %iota3A : vector<16xi32>
            %parallel_loop3A_160 = arith.constant 64 : i32
            %parallel_loop3A_161 = arith.muli %add3A_112, %parallel_loop3A_160 : i32
            %parallel_loop3A_162 = vector.broadcast %parallel_loop3A_161 : i32 to vector<16xi32>
            %parallel_loop3A_163 = arith.addi %parallel_loop3A_162, %parallel_loop3A_159 : vector<16xi32>
            %parallel_loop3A_164 = tpu.vector_load_idx %arg6[%parallel_loop3A_145, %parallel_loop3A_163] : memref<128x768xf32, #tpu.memory_space<vmem>>[vector<16xi32>, vector<16xi32>], vector<16xf32>,
            %parallel_loop3A_165 = arith.constant 8.000000e+00 : f32
            %parallel_loop3A_166 = vector.broadcast %parallel_loop3A_165 : f32 to vector<16xf32>
            %parallel_loop3A_167 = arith.mulf %parallel_loop3A_164, %parallel_loop3A_166 : vector<16xf32>
            tpu.vector_store_idx %arg8[%parallel_loop3A_159, %parallel_loop3A_145], %parallel_loop3A_167 : memref<64x128xf32, #tpu.memory_space<vmem>>[vector<16xi32>, vector<16xi32>], vector<16xf32>,
            %parallel_loop3A_168 = arith.constant 32 : i32
            %parallel_loop3A_169 = vector.broadcast %parallel_loop3A_168 : i32 to vector<16xi32>
            %parallel_loop3A_170 = arith.addi %parallel_loop3A_169, %iota3A : vector<16xi32>
            %parallel_loop3A_171 = arith.constant 64 : i32
            %parallel_loop3A_172 = arith.muli %add3A_112, %parallel_loop3A_171 : i32
            %parallel_loop3A_173 = vector.broadcast %parallel_loop3A_172 : i32 to vector<16xi32>
            %parallel_loop3A_174 = arith.addi %parallel_loop3A_173, %parallel_loop3A_170 : vector<16xi32>
            %parallel_loop3A_175 = tpu.vector_load_idx %arg6[%parallel_loop3A_145, %parallel_loop3A_174] : memref<128x768xf32, #tpu.memory_space<vmem>>[vector<16xi32>, vector<16xi32>], vector<16xf32>,
            %parallel_loop3A_176 = arith.constant 8.000000e+00 : f32
            %parallel_loop3A_177 = vector.broadcast %parallel_loop3A_176 : f32 to vector<16xf32>
            %parallel_loop3A_178 = arith.mulf %parallel_loop3A_175, %parallel_loop3A_177 : vector<16xf32>
            tpu.vector_store_idx %arg8[%parallel_loop3A_170, %parallel_loop3A_145], %parallel_loop3A_178 : memref<64x128xf32, #tpu.memory_space<vmem>>[vector<16xi32>, vector<16xi32>], vector<16xf32>,
            %parallel_loop3A_179 = arith.constant 48 : i32
            %parallel_loop3A_180 = vector.broadcast %parallel_loop3A_179 : i32 to vector<16xi32>
            %parallel_loop3A_181 = arith.addi %parallel_loop3A_180, %iota3A : vector<16xi32>
            %parallel_loop3A_182 = arith.constant 64 : i32
            %parallel_loop3A_183 = arith.muli %add3A_112, %parallel_loop3A_182 : i32
            %parallel_loop3A_184 = vector.broadcast %parallel_loop3A_183 : i32 to vector<16xi32>
            %parallel_loop3A_185 = arith.addi %parallel_loop3A_184, %parallel_loop3A_181 : vector<16xi32>
            %parallel_loop3A_186 = tpu.vector_load_idx %arg6[%parallel_loop3A_145, %parallel_loop3A_185] : memref<128x768xf32, #tpu.memory_space<vmem>>[vector<16xi32>, vector<16xi32>], vector<16xf32>,
            %parallel_loop3A_187 = arith.constant 8.000000e+00 : f32
            %parallel_loop3A_188 = vector.broadcast %parallel_loop3A_187 : f32 to vector<16xf32>
            %parallel_loop3A_189 = arith.mulf %parallel_loop3A_186, %parallel_loop3A_188 : vector<16xf32>
            tpu.vector_store_idx %arg8[%parallel_loop3A_181, %parallel_loop3A_145], %parallel_loop3A_189 : memref<64x128xf32, #tpu.memory_space<vmem>>[vector<16xi32>, vector<16xi32>], vector<16xf32>,
          } {sc.loop_unroll_factor = 4 : i64, sc.parallel_access}
        }
        %scan3A_122 = arith.constant 8 : i32
        %dma_start3A_123 = arith.constant 0 : i32
        %dma_start3A_124 = tpu.memref_slice %arg4[%select_n3A, %add3A_112, %dma_start3A_123, %add3A_78] : memref<4x12x64x2048xf32, #tpu.memory_space<hbm>> -> memref<1x1x64x128xf32, #tpu.memory_space<hbm>>
        %dma_start3A_125 = tpu.memref_squeeze %dma_start3A_124 : memref<1x1x64x128xf32, #tpu.memory_space<hbm>> -> memref<64x128xf32, #tpu.memory_space<hbm>>
        %dma_start3A_126 = arith.constant 0 : i32
        %dma_start3A_127 = tpu.memref_slice %arg4[%select_n3A, %add3A_112, %dma_start3A_126, %add3A_78] : memref<4x12x64x2048xf32, #tpu.memory_space<hbm>> -> memref<1x1x64x128xf32, #tpu.memory_space<hbm>>
        %dma_start3A_128 = tpu.memref_squeeze %dma_start3A_127 : memref<1x1x64x128xf32, #tpu.memory_space<hbm>> -> memref<64x128xf32, #tpu.memory_space<hbm>>
        tpu.enqueue_dma source(%arg8 : memref<64x128xf32, #tpu.memory_space<vmem>>) target(%dma_start3A_128 : memref<64x128xf32, #tpu.memory_space<hbm>>) target_semaphore(%arg11 : memref<!tpu.dma_semaphore, #tpu.memory_space<semaphore_mem>>)
      }
      %scan3A_83 = arith.constant 6 : i32
    }
    %scan3A_38 = arith.constant 2 : i32
    %dma_wait3A = arith.constant 0 : i32
    %dma_wait3A_39 = arith.constant 0 : i32
    %dma_wait3A_40 = arith.constant 0 : i32
    %dma_wait3A_41 = arith.constant 0 : i32
    %dma_wait3A_42 = tpu.memref_slice %arg4[%dma_wait3A, %dma_wait3A_39, %dma_wait3A_40, %dma_wait3A_41] : memref<4x12x64x2048xf32, #tpu.memory_space<hbm>> -> memref<1x1x64x128xf32, #tpu.memory_space<hbm>>
    %dma_wait3A_43 = tpu.memref_squeeze %dma_wait3A_42 : memref<1x1x64x128xf32, #tpu.memory_space<hbm>> -> memref<64x128xf32, #tpu.memory_space<hbm>>
    %dma_wait3A_44 = arith.constant 0 : i32
    %dma_wait3A_45 = arith.constant 0 : i32
    %dma_wait3A_46 = tpu.memref_slice %arg4[%dma_wait3A, %dma_wait3A_39, %dma_wait3A_44, %dma_wait3A_45] : memref<4x12x64x2048xf32, #tpu.memory_space<hbm>> -> memref<1x1x64x128xf32, #tpu.memory_space<hbm>>
    %dma_wait3A_47 = tpu.memref_squeeze %dma_wait3A_46 : memref<1x1x64x128xf32, #tpu.memory_space<hbm>> -> memref<64x128xf32, #tpu.memory_space<hbm>>
    tpu.wait_dma2 semaphore(%arg10 : memref<!tpu.dma_semaphore, #tpu.memory_space<semaphore_mem>>) src(%dma_wait3A_47 : memref<64x128xf32, #tpu.memory_space<hbm>>) dst(%arg7 : memref<64x128xf32, #tpu.memory_space<vmem>>)
    %dma_wait3A_48 = arith.constant 0 : i32
    %dma_wait3A_49 = arith.constant 0 : i32
    %dma_wait3A_50 = arith.constant 0 : i32
    %dma_wait3A_51 = arith.constant 0 : i32
    %dma_wait3A_52 = tpu.memref_slice %arg4[%dma_wait3A_48, %dma_wait3A_49, %dma_wait3A_50, %dma_wait3A_51] : memref<4x12x64x2048xf32, #tpu.memory_space<hbm>> -> memref<1x1x64x128xf32, #tpu.memory_space<hbm>>
    %dma_wait3A_53 = tpu.memref_squeeze %dma_wait3A_52 : memref<1x1x64x128xf32, #tpu.memory_space<hbm>> -> memref<64x128xf32, #tpu.memory_space<hbm>>
    %dma_wait3A_54 = arith.constant 0 : i32
    %dma_wait3A_55 = arith.constant 0 : i32
    %dma_wait3A_56 = tpu.memref_slice %arg4[%dma_wait3A_48, %dma_wait3A_49, %dma_wait3A_54, %dma_wait3A_55] : memref<4x12x64x2048xf32, #tpu.memory_space<hbm>> -> memref<1x1x64x128xf32, #tpu.memory_space<hbm>>
    %dma_wait3A_57 = tpu.memref_squeeze %dma_wait3A_56 : memref<1x1x64x128xf32, #tpu.memory_space<hbm>> -> memref<64x128xf32, #tpu.memory_space<hbm>>
    tpu.wait_dma2 semaphore(%arg11 : memref<!tpu.dma_semaphore, #tpu.memory_space<semaphore_mem>>) src(%dma_wait3A_57 : memref<64x128xf32, #tpu.memory_space<hbm>>) dst(%arg8 : memref<64x128xf32, #tpu.memory_space<vmem>>)
    return
  }
}

</mosaic_0001>

<sc_bundles>
// kernel: kernel.3.cloned.1.call-start
scs
__scs_entry_jumppad:
0x0: {  	(pc) =	sbr.rel $0x88, $3  }
0x1: {  	(tag) =	ssettag $0x0;
	lr =	simm.s32 $0x1  }
0x2: {  	[smem:$0x3F9F] =	sst lr;
	_ =	strace $0xD0000000  }
0x3: {  	_ = 	snop  }
0x4: {  	_ = 	snop  }
0x5: {  	_ = 	snop  }
0x6: {  	_ = 	snop  }
0x7: {  	_ = 	snop  }
__scs_overlays_trampoline_lowered:
0x8: {  	[smem:$0x3FAE] =	sst s0  }
0x9: {  	[smem:$0x3FAF] =	sst s1  }
0xa: {  	[smem:$0x3FB0] =	sst s2  }
0xb: {  	[smem:$0x3FB1] =	sst s3  }
0xc: {  	[smem:$0x3FB2] =	sst s4  }
0xd: {  	[smem:$0x3FB3] =	sst s5  }
0xe: {  	[smem:$0x3FB4] =	sst s6  }
0xf: {  	[smem:$0x3FB5] =	sst s7  }
0x10: {  	[smem:$0x3FB6] =	sst s8  }
0x11: {  	[smem:$0x3FB7] =	sst s9;
	s0 =	simm.s32 @!p0 $0x0  }
0x12: {  	s1 =	sld [smem:$0x3F9D];
	s0 =	simm.s32 @p0 $0x1  }
0x13: {  	[smem:$0x3FB8] =	sst s0;
	s0 =	simm.s32 @!p1 $0x0  }
0x14: {  	s2 =	sld [smem:$0x3F9C];
	s0 =	simm.s32 @p1 $0x1  }
0x15: {  	[smem:$0x3FB9] =	sst s0;
	s0 =	simm.s32 @!p2 $0x0  }
0x16: {  	s3 =	sld [smem:$0x3FDB];
	s0 =	simm.s32 @p2 $0x1  }
0x17: {  	s4 =	simm.s32 $0x1BF5;
	[smem:$0x3FBB] =	sst s0  }
0x18: {  	s0 =	sld [smem:$0x3F9E];
	_ =	swait.ge [sflag:s4], $0x0  }
0x19: {  	s7 =	sld [smem:$0x3F9F]  }
0x1a: {  	s8 =	sadd.s32 $0xFFFFE003, lr  }
0x1b: {  	s9 =	sadd.s32 $0xFFFFFEF7, lr;
	s5 =	simm.s32 $0xFFFFFFFF;
	p2 =	slt.u32 s8, $0xFFFFF086  }
0x1c: {  	p1 =	slt.u32 s9, $0xF7A;
	s5 =	simm.s32 @!p2 $0x0  }
0x1d: {  	s5 =	simm.s32 @p1 $0x1;
	p0 =	seq.s32 s7, s2  }
0x1e: {  	s7 =	smul.u32 @!p0 $0xF7A, s2;
	p2 =	seq.s32 @!p0 s5, $0x0  }
0x1f: {  	s9 =	smul.u32 $0xF7A, s1;
	s8 =	simm.s32 @!p0 $0x1BF5;
	p2 =	por !p2, p0  }
0x20: {  	[sflag:s8] =	ssyncset.s32 @!p0 $0xFFFFF086;
	s6 =	sadd.s32 @!p0 s3, s7;
	s7 =	simm.s32 @!p0 $0x108  }
0x21: {  	s3 =	sadd.s32 s3, s9;
	s6 =	sadd.s32 @!p0 $0x88, s6;
	s7 =	simm.s32 @p2 $0x1082  }
0x22: {  	[simem:s7], [sflag:s8] =	dma.local @!p0 [hbm:s6], $0xF7A  }
0x23: {  	s9 =	sor.u32 $0xD0000000, s2;
	s6 =	simm.s32 $0x108;
	_ =	swait.ge @!p0 [sflag:s8], $0x0  }
0x24: {  	s3 =	sadd.s32 $0x88, s3;
	s6 =	simm.s32 @!p1 $0x1082;
	[sflag:s4] =	ssyncset.s32 $0xFFFFF086  }
0x25: {  	[simem:s6], [sflag:s4] =	dma.local [hbm:s3], $0xF7A  }
0x26: {  	[smem:$0x3F9F] =	sst s1;
	(tag) =	ssettag s2;
	_ =	strace s9  }
0x27: {  	s1 =	sld [smem:$0x3FAF]  }
0x28: {  	s2 =	sld [smem:$0x3FB0]  }
0x29: {  	s4 =	sld [smem:$0x3FB2]  }
0x2a: {  	p0 =	seq.s32 s5, $0x0;
	s5 =	sld [smem:$0x3FB3]  }
0x2b: {  	s6 =	sld [smem:$0x3FB4]  }
0x2c: {  	s7 =	sld [smem:$0x3FB5]  }
0x2d: {  	s3 =	simm.s32 $0x108;
	s8 =	sld [smem:$0x3FB6]  }
0x2e: {  	s3 =	simm.s32 @!p0 $0x1082;
	s9 =	sld [smem:$0x3FB7]  }
0x2f: {  	lr =	sadd.s32 s0, s3;
	s0 =	sld [smem:$0x3FAE]  }
0x30: {  	s3 =	sld [smem:$0x3FB1]  }
0x31: {  	[smem:$0x3FBA] =	sst s10  }
0x32: {  	s10 =	sld [smem:$0x3FB8];
	_ =	sdelay $0x3  }
0x33: {  	p0 =	seq.s32 s10, $0x1;
	s10 =	sld [smem:$0x3FBA];
	_ =	sdelay $0x3  }
0x34: {  	[smem:$0x3FBA] =	sst s10  }
0x35: {  	s10 =	sld [smem:$0x3FB9];
	_ =	sdelay $0x3  }
0x36: {  	p1 =	seq.s32 s10, $0x1;
	s10 =	sld [smem:$0x3FBA];
	_ =	sdelay $0x3  }
0x37: {  	[smem:$0x3FBA] =	sst s10  }
0x38: {  	s10 =	sld [smem:$0x3FBB]  }
0x39: {  	_ = 	snop;
	(pc) =	sbr.ind lr, $3  }
0x3a: {  	_ = 	snop  }
0x3b: {  	_ = 	snop  }
0x3c: {  	p2 =	seq.s32 s10, $0x1;
	s10 =	sld [smem:$0x3FBA]  }
0x3d: {  	_ =	shalt  }
0x3e: {  	_ =	shalt  }
0x3f: {  	_ =	shalt  }
0x40: {  	_ =	shalt  }
0x41: {  	_ =	shalt  }
0x42: {  	_ =	shalt  }
0x43: {  	_ =	shalt  }
0x44: {  	_ =	shalt  }
0x45: {  	_ =	shalt  }
0x46: {  	_ =	shalt  }
0x47: {  	_ =	shalt  }
0x48: {  	_ =	shalt  }
0x49: {  	_ =	shalt  }
0x4a: {  	_ =	shalt  }
0x4b: {  	_ =	shalt  }
0x4c: {  	_ =	shalt  }
0x4d: {  	_ =	shalt  }
0x4e: {  	_ =	shalt  }
0x4f: {  	_ =	shalt  }
0x50: {  	_ =	shalt  }
0x51: {  	_ =	shalt  }
0x52: {  	_ =	shalt  }
0x53: {  	_ =	shalt  }
0x54: {  	_ =	shalt  }
0x55: {  	_ =	shalt  }
0x56: {  	_ =	shalt  }
0x57: {  	_ =	shalt  }
0x58: {  	_ =	shalt  }
0x59: {  	_ =	shalt  }
0x5a: {  	_ =	shalt  }
0x5b: {  	_ =	shalt  }
0x5c: {  	_ =	shalt  }
0x5d: {  	_ =	shalt  }
0x5e: {  	_ =	shalt  }
0x5f: {  	_ =	shalt  }
0x60: {  	_ =	shalt  }
0x61: {  	_ =	shalt  }
0x62: {  	_ =	shalt  }
0x63: {  	_ =	shalt  }
0x64: {  	_ =	shalt  }
0x65: {  	_ =	shalt  }
0x66: {  	_ =	shalt  }
0x67: {  	_ =	shalt  }
0x68: {  	_ =	shalt  }
0x69: {  	_ =	shalt  }
0x6a: {  	_ =	shalt  }
0x6b: {  	_ =	shalt  }
0x6c: {  	_ =	shalt  }
0x6d: {  	_ =	shalt  }
0x6e: {  	_ =	shalt  }
0x6f: {  	_ =	shalt  }
0x70: {  	_ =	shalt  }
0x71: {  	_ =	shalt  }
0x72: {  	_ =	shalt  }
0x73: {  	_ =	shalt  }
0x74: {  	_ =	shalt  }
0x75: {  	_ =	shalt  }
0x76: {  	_ =	shalt  }
0x77: {  	_ =	shalt  }
0x78: {  	_ =	shalt  }
0x79: {  	_ =	shalt  }
0x7a: {  	_ =	shalt  }
0x7b: {  	_ =	shalt  }
0x7c: {  	_ =	shalt  }
0x7d: {  	_ =	shalt  }
0x7e: {  	_ =	shalt  }
0x7f: {  	_ =	shalt  }
0x80: {  	_ =	shalt  }
0x81: {  	_ =	shalt  }
0x82: {  	_ =	shalt  }
0x83: {  	_ =	shalt  }
0x84: {  	_ =	shalt  }
0x85: {  	_ =	shalt  }
0x86: {  	_ =	shalt  }
0x87: {  	_ =	shalt  }
.Lfunc_end0:
.L_simem_size_0:
called_computation_lowered:
.L_overlay_start_0:
0x88: {  	s2 =	sld [smem:$0x3FD9]  }
0x89: {  	s3 =	sld [smem:$0x3FFE];
	_ =	sdelay $0x1  }
0x8a: {  	s1 =	srdreg.scid  }
0x8b: {  	s0 =	sand.u32 $0x1, s1  }
0x8c: {  	s17 =	sshll.u32 s0, $0xA;
	s2 =	sadd.s32 s3, s2  }
0x8d: {  	s2 =	sadd.s32 s2, s17  }
0x8e: {  	[smem:$0x3FC6] =	sst s2  }
0x8f: {  	_ = 	snop  }
0x90: {  	s2 =	sld [smem:$0x3FC8]  }
0x91: {  	s18 =	sld [smem:$0x3FD0];
	(tm) =	ssettm $0x1  }
0x92: {  	s4 =	sld [smem:$0x3FFB];
	_ =	sdelay $0x3  }
0x93: {  	_ =	strace s4  }
0x94: {  	s4 =	sld [smem:$0x3FFC];
	_ =	sdelay $0x3  }
0x95: {  	_ =	strace s4  }
0x96: {  	s4 =	sld [smem:$0x3FFD];
	_ =	sdelay $0x3  }
0x97: {  	_ =	strace s4  }
0x98: {  	_ =	strace $0x8FFFFFFF  }
0x99: {  	s19 =	sld [smem:$0x3FDB];
	_ =	sdelay $0x1  }
0x9a: {  	s5 =	simm.s32 $_scs_section_size  }
0x9b: {  	s6 =	simm.s32 $_size__tile_overlayer_lowered;
	s7 =	simm.s32 $_tile_overlayer_lowered  }
0x9c: {  	s22 =	simm.s32 $0x1BFF;
	s21 =	sshll.u32 s7, $0x1;
	s4 =	sadd.s32 s5, s19  }
0x9d: {  	s8 =	simm.s32 $0x0;
	s20 =	sshll.u32 s6, $0x1;
	s6 =	sadd.s32 s21, s4  }
0x9e: {  	[timem:s8], [sflag:s22] =	dma.local [hbm:s6], s20  }
0x9f: {  	_ =	swait.ge [sflag:s22], s20  }
0xa0: {  	s5 =	ssub.s32 $0x0, s20;
	[sflag:s22] =	ssyncset.done $0x0  }
0xa1: {  	[sflag:s22] =	ssyncadd.s32 s5;
	_ =	sdelay $0x1  }
0xa2: {  	s23 =	simm.s32 $0x1B8B  }
0xa3: {  	_ =	swait.ge [sflag:s23], $0x1  }
0xa4: {  	[sflag:s23] =	ssyncset.done $0x0  }
0xa5: {  	s25 =	simm.s32 $0x1B8E;
	s24 =	sld [smem:$0x3FFE];
	[sflag:s23] =	ssyncadd.s32 $0xFFFFFFFF  }
0xa6: {  	s26 =	simm.s32 $execute0_lowered;
	[smem:$0x3FD2] =	sst s25  }
0xa7: {  	s6 =	sshll.u32 s26, $0x1;
	_ =	strace $0x80000046;
	[dreg:$0x1] =	wrdreg $0xFFFFFFFF  }
0xa8: {  	s28 =	simm.s32 $_size_execute0_lowered;
	s4 =	sadd.s32 s4, s6;
	[dreg:$0x0] =	wrdreg $0x0  }
0xa9: {  	s6 =	sshll.u32 s28, $0x1;
	[dreg:$0x2] =	wrdreg s4  }
0xaa: {  	[dreg:$0x3] =	wrdreg s6  }
0xab: {  	[dreg:$0x4] =	wrdreg $0xC0  }
0xac: {  	_ =	task [dreg:s8], $0x5FFFF  }
0xad: {  	[dreg:$0x1] =	wrdreg $0xFFFFFFFF  }
0xae: {  	[dreg:$0x0] =	wrdreg $0x60  }
0xaf: {  	[dreg:$0x2] =	wrdreg s24  }
0xb0: {  	[dreg:$0x3] =	wrdreg s2  }
0xb1: {  	[dreg:$0x4] =	wrdreg s18  }
0xb2: {  	[dreg:$0x5] =	wrdreg $0x9  }
0xb3: {  	_ =	task.clear_ibuf [dreg:s8], $0x6FFFF;
	_ =	strace $0x90000046  }
0xb4: {  	s29 =	simm.s32 $0x9;
	_ =	strace $0x80000048  }
0xb5: {  	_ =	swait.ge [sflag:s29], $0x1  }
0xb6: {  	[sflag:s29] =	ssyncadd.s32 $0xFFFFFFFF  }
0xb7: {  	_ =	strace $0x90000048  }
0xb8: {  	_ =	sfence  }
0xb9: {  	s30 =	sld [smem:$0x0];
	_ =	sdelay $0x2  }
0xba: {  	s31 =	sshll.u32 s1, $0xD;
	s1 =	sshrl.u32 s1, $0x2  }
0xbb: {  	s3 =	sand.u32 $0x4000, s31;
	s1 =	sadd.s32 s1, s30  }
0xbc: {  	s0 =	sor.u32 s3, s0;
	s1 =	sshll.u32 s1, $0x11  }
0xbd: {  	s0 =	sor.u32 s1, s0  }
0xbe: {  	s0 =	sadd.s32 $0x8F2B, s0  }
0xbf: {  	[sflag:s0] =	ssyncadd.remote.s32 $0x1  }
0xc0: {  	_ =	sfence.sel $0xFFFF  }
0xc1: {  	[dreg:$0x0] =	wrdreg $0xFFFFFFFF;
	(pc) =	sbr.abs _section_cstart, $3  }
0xc2: {  	[dreg:$0x1] =	wrdreg $0xFFFFFFFF  }
0xc3: {  	_ =	task.clear_ibuf [dreg:s8], $0x2FFFF;
	_ =	strace $0x9FFFFFFF  }
0xc4: {  	(tm) =	ssettm $0x7FFFFFFF  }
0xc5: {  	_ =	shalt  }
tec
execute0_lowered:
.L_overlay_start_1:
0x0: {  	(tag) =	ssettag $0x1  }
0x1: {  	s0 =	rddreg [dreg:$0x0]  }
0x2: {  	s2 =	rddreg [dreg:$0x1];
	s1 =	srdreg.scid  }
0x3: {  	s7 =	stileid.u32;
	s4 =	simm.s32 $0x0;
	s12 =	simm.s32 $0x100  }
0x4: {  	s28 =	simm.s32 $0x13900;
	s29 =	simm.s32 $0x14100;
	s30 =	simm.s32 $0x14900  }
0x5: {  	s31 =	simm.s32 $0x15100;
	s10 =	simm.s32 $0x17100;
	s11 =	simm.s32 $0x17900  }
0x6: {  	s13 =	simm.s32 $0x18100;
	s14 =	simm.s32 $0x400;
	s15 =	simm.s32 $0x4000  }
0x7: {  	s16 =	simm.s32 $0x1A100;
	s19 =	simm.s32 $0x0;
	s1 =	sand.u32 $0x1, s1  }
0x8: {  	s3 =	sshll.u32 s7, $0x9;
	[smem:$0x7FF] =	sst s4;
	s25 =	sshrl.u32 s7, $0x2  }
0x9: {  	s7 =	sadd.s32 $0x100, s2;
	s8 =	sadd.s32 $0x200, s2;
	s5 =	sshll.u32 s1, $0x8  }
0xa: {  	v0 =	vlaneseq.u32;
	vm0 =	vmmov $0xffff;
	s1 =	ssub.s32 $0x2, s1;
	_ =	strace $0x80000047;
	s3 =	sor.u32 s5, s3  }
0xb: {  	v2 =	vshrl.u32 v0, $0x3;
	v1 =	vand.u32 $0x7, v0;
	v3 =	vmul.u32 $0x80, v0;
	s9 =	smul.u32 $0x180000, s25;
	s6 =	sshrl.u32 s1, $0x1;
	s5 =	sshrl.u32 s3, $0x3  }
0xc: {  	v4 =	vor.u32 $0x8, v0;
	v5 =	vor.u32 $0x10, v0;
	v7 =	vor.u32 $0x20, v0;
	s1 =	ssub.s32 s1, s6;
	s6 =	simm.s32 $0x16900;
	s0 =	sadd.s32 s5, s0  }
0xd: {  	v9 =	vor.u32 $0x30, v0;
	v11 =	vor.u32 $0x40, v0;
	v12 =	vor.u32 $0x50, v0;
	s5 =	sand.u32 $0x700, s3;
	s26 =	smax.u32 s1, $0x1;
	s1 =	simm.s32 $0x16100  }
0xe: {  	v13 =	vor.u32 $0x60, v0;
	v14 =	vor.u32 $0x70, v0;
	v2 =	vmul.u32 $0x8, v2;
	s3 =	simm.s32 $0x1;
	s0 =	sadd.s32 $0x400, s0;
	[dreg:$0x5] =	wrdreg s26  }
0xf: {  	v6 =	vor.u32 $0x800, v3;
	v8 =	vor.u32 $0x1000, v3;
	v10 =	vor.u32 $0x1800, v3;
	s26 =	simm.s32 $0x13100;
	[dreg:$0x4] =	wrdreg s0;
	s0 =	simm.s32 $0x15900  }
.LBB2_1:
0x10: {  	[dreg:$0x6] =	wrdreg s19  }
0x11: {  	s17 =	rddreg [dreg:$0x4];
	s25 =	simm.s32 $0x4  }
0x12: {  	[tilespmem:s4], [sflag:$0x4] =	stream.linear.gather [hbm4b:s17+s4], $0x100, $0x38;
	[tilespmem:$0x1C100] =	vst v63  }
0x13: {  	_ =	swait.ge [sflag:s25], $0x100  }
0x14: {  	p1 =	por $0x1, $0x1;
	[sflag:s25] =	ssyncset.done $0x0  }
0x15: {  	p2 =	por $0x0, $0x0;
	s17 =	simm.s32 $0x0;
	[sflag:s25] =	ssyncadd.s32 $0xFFFFFF00  }
.LBB2_2:
0x16: {  	v15 =	vld [tilespmem:s17+$0x0];
	_ =	sdelay $0x4  }
0x17: {  	v16 =	vshrl.u32 v15, $0x3  }
0x18: {  	v16 =	vmul.u32 $0x30, v16  }
0x19: {  	v15 =	vand.u32 $0x7, v15  }
0x1a: {  	v15 =	vor.u32 v15, v16  }
0x1b: {  	v16 =	vperm.xlane v15, v1;
	_ =	sdelay $0x1  }
0x1c: {  	v16 =	vadd.s32 v2, v16;
	_ =	sdelay $0x3  }
0x1d: {  	v15 =	vperm.xlane v15, v4  }
0x1e: {  	[tilespmem:s12], [sflag:$0x1] =	stream.indirect_vreg.gather [hbm4b:s2+s4], $0x80, v16, vm0, $0xb8;
	[tilespmem:$0x1C100] =	vst v63  }
0x1f: {  	s18 =	simm.s32 $0x900;
	v15 =	vadd.s32 v2, v15  }
0x20: {  	[tilespmem:s18], [sflag:$0x1] =	stream.indirect_vreg.gather [hbm4b:s7+s4], $0x80, v16, vm0, $0xb8;
	[tilespmem:$0x1C100] =	vst v63  }
0x21: {  	s23 =	simm.s32 $0x1100  }
0x22: {  	[tilespmem:s23], [sflag:$0x1] =	stream.indirect_vreg.gather [hbm4b:s8+s4], $0x80, v16, vm0, $0xb8;
	[tilespmem:$0x1C100] =	vst v63  }
0x23: {  	s24 =	simm.s32 $0x1900  }
0x24: {  	[tilespmem:s24], [sflag:$0x1] =	stream.indirect_vreg.gather [hbm4b:s2+s4], $0x80, v15, vm0, $0xb8;
	[tilespmem:$0x1C100] =	vst v63  }
0x25: {  	s25 =	simm.s32 $0x2100  }
0x26: {  	[tilespmem:s25], [sflag:$0x1] =	stream.indirect_vreg.gather [hbm4b:s7+s4], $0x80, v15, vm0, $0xb8;
	[tilespmem:$0x1C100] =	vst v63  }
0x27: {  	s19 =	simm.s32 $0x2900  }
0x28: {  	[tilespmem:s19], [sflag:$0x1] =	stream.indirect_vreg.gather [hbm4b:s8+s4], $0x80, v15, vm0, $0xb8;
	[tilespmem:$0x1C100] =	vst v63  }
0x29: {  	v15 =	vld [tilespmem:s17+$0x10];
	_ =	sdelay $0x4  }
0x2a: {  	v57 =	vshrl.u32 v15, $0x3  }
0x2b: {  	v16 =	vmul.u32 $0x30, v57  }
0x2c: {  	v15 =	vand.u32 $0x7, v15  }
0x2d: {  	v15 =	vor.u32 v15, v16  }
0x2e: {  	v16 =	vperm.xlane v15, v1;
	_ =	sdelay $0x1  }
0x2f: {  	v16 =	vadd.s32 v2, v16;
	_ =	sdelay $0x3  }
0x30: {  	s20 =	simm.s32 $0x3100;
	v15 =	vperm.xlane v15, v4  }
0x31: {  	[tilespmem:s20], [sflag:$0x1] =	stream.indirect_vreg.gather [hbm4b:s2+s4], $0x80, v16, vm0, $0xb8;
	[tilespmem:$0x1C100] =	vst v63  }
0x32: {  	s21 =	simm.s32 $0x3900;
	v15 =	vadd.s32 v2, v15  }
0x33: {  	[tilespmem:s21], [sflag:$0x1] =	stream.indirect_vreg.gather [hbm4b:s7+s4], $0x80, v16, vm0, $0xb8;
	[tilespmem:$0x1C100] =	vst v63  }
0x34: {  	s22 =	simm.s32 $0x4100  }
0x35: {  	[tilespmem:s22], [sflag:$0x1] =	stream.indirect_vreg.gather [hbm4b:s8+s4], $0x80, v16, vm0, $0xb8;
	[tilespmem:$0x1C100] =	vst v63  }
0x36: {  	s23 =	simm.s32 $0x4900  }
0x37: {  	[tilespmem:s23], [sflag:$0x1] =	stream.indirect_vreg.gather [hbm4b:s2+s4], $0x80, v15, vm0, $0xb8;
	[tilespmem:$0x1C100] =	vst v63  }
0x38: {  	s24 =	simm.s32 $0x5100  }
0x39: {  	[tilespmem:s24], [sflag:$0x1] =	stream.indirect_vreg.gather [hbm4b:s7+s4], $0x80, v15, vm0, $0xb8;
	[tilespmem:$0x1C100] =	vst v63  }
0x3a: {  	s25 =	simm.s32 $0x5900  }
0x3b: {  	[tilespmem:s25], [sflag:$0x1] =	stream.indirect_vreg.gather [hbm4b:s8+s4], $0x80, v15, vm0, $0xb8;
	[tilespmem:$0x1C100] =	vst v63  }
0x3c: {  	v15 =	vld [tilespmem:s17+$0x20];
	_ =	sdelay $0x4  }
0x3d: {  	v58 =	vshrl.u32 v15, $0x3  }
0x3e: {  	v16 =	vmul.u32 $0x30, v58  }
0x3f: {  	v15 =	vand.u32 $0x7, v15  }
0x40: {  	v15 =	vor.u32 v15, v16  }
0x41: {  	v16 =	vperm.xlane v15, v1;
	_ =	sdelay $0x1  }
0x42: {  	v16 =	vadd.s32 v2, v16;
	_ =	sdelay $0x3  }
0x43: {  	s19 =	simm.s32 $0x6100;
	v15 =	vperm.xlane v15, v4  }
0x44: {  	[tilespmem:s19], [sflag:$0x1] =	stream.indirect_vreg.gather [hbm4b:s2+s4], $0x80, v16, vm0, $0xb8;
	[tilespmem:$0x1C100] =	vst v63  }
0x45: {  	s20 =	simm.s32 $0x6900;
	v15 =	vadd.s32 v2, v15  }
0x46: {  	[tilespmem:s20], [sflag:$0x1] =	stream.indirect_vreg.gather [hbm4b:s7+s4], $0x80, v16, vm0, $0xb8;
	[tilespmem:$0x1C100] =	vst v63  }
0x47: {  	s21 =	simm.s32 $0x7100  }
0x48: {  	[tilespmem:s21], [sflag:$0x1] =	stream.indirect_vreg.gather [hbm4b:s8+s4], $0x80, v16, vm0, $0xb8;
	[tilespmem:$0x1C100] =	vst v63  }
0x49: {  	s22 =	simm.s32 $0x7900  }
0x4a: {  	[tilespmem:s22], [sflag:$0x1] =	stream.indirect_vreg.gather [hbm4b:s2+s4], $0x80, v15, vm0, $0xb8;
	[tilespmem:$0x1C100] =	vst v63  }
0x4b: {  	s23 =	simm.s32 $0x8100  }
0x4c: {  	[tilespmem:s23], [sflag:$0x1] =	stream.indirect_vreg.gather [hbm4b:s7+s4], $0x80, v15, vm0, $0xb8;
	[tilespmem:$0x1C100] =	vst v63  }
0x4d: {  	s24 =	simm.s32 $0x8900  }
0x4e: {  	[tilespmem:s24], [sflag:$0x1] =	stream.indirect_vreg.gather [hbm4b:s8+s4], $0x80, v15, vm0, $0xb8;
	[tilespmem:$0x1C100] =	vst v63  }
0x4f: {  	v15 =	vld [tilespmem:s17+$0x30];
	_ =	sdelay $0x4  }
0x50: {  	v59 =	vshrl.u32 v15, $0x3  }
0x51: {  	v16 =	vmul.u32 $0x30, v59  }
0x52: {  	v15 =	vand.u32 $0x7, v15  }
0x53: {  	v15 =	vor.u32 v15, v16  }
0x54: {  	v16 =	vperm.xlane v15, v1;
	_ =	sdelay $0x1  }
0x55: {  	v16 =	vadd.s32 v2, v16;
	_ =	sdelay $0x3  }
0x56: {  	s25 =	simm.s32 $0x9100;
	v15 =	vperm.xlane v15, v4  }
0x57: {  	[tilespmem:s25], [sflag:$0x1] =	stream.indirect_vreg.gather [hbm4b:s2+s4], $0x80, v16, vm0, $0xb8;
	[tilespmem:$0x1C100] =	vst v63  }
0x58: {  	s19 =	simm.s32 $0x9900;
	v15 =	vadd.s32 v2, v15  }
0x59: {  	[tilespmem:s19], [sflag:$0x1] =	stream.indirect_vreg.gather [hbm4b:s7+s4], $0x80, v16, vm0, $0xb8;
	[tilespmem:$0x1C100] =	vst v63  }
0x5a: {  	s20 =	simm.s32 $0xA100  }
0x5b: {  	[tilespmem:s20], [sflag:$0x1] =	stream.indirect_vreg.gather [hbm4b:s8+s4], $0x80, v16, vm0, $0xb8;
	[tilespmem:$0x1C100] =	vst v63  }
0x5c: {  	s21 =	simm.s32 $0xA900  }
0x5d: {  	[tilespmem:s21], [sflag:$0x1] =	stream.indirect_vreg.gather [hbm4b:s2+s4], $0x80, v15, vm0, $0xb8;
	[tilespmem:$0x1C100] =	vst v63  }
0x5e: {  	s22 =	simm.s32 $0xB100  }
0x5f: {  	[tilespmem:s22], [sflag:$0x1] =	stream.indirect_vreg.gather [hbm4b:s7+s4], $0x80, v15, vm0, $0xb8;
	[tilespmem:$0x1C100] =	vst v63  }
0x60: {  	s23 =	simm.s32 $0xB900  }
0x61: {  	[tilespmem:s23], [sflag:$0x1] =	stream.indirect_vreg.gather [hbm4b:s8+s4], $0x80, v15, vm0, $0xb8;
	[tilespmem:$0x1C100] =	vst v63  }
0x62: {  	v15 =	vld [tilespmem:s17+$0x40];
	_ =	sdelay $0x4  }
0x63: {  	v60 =	vshrl.u32 v15, $0x3  }
0x64: {  	v16 =	vmul.u32 $0x30, v60  }
0x65: {  	v15 =	vand.u32 $0x7, v15  }
0x66: {  	v15 =	vor.u32 v15, v16  }
0x67: {  	v16 =	vperm.xlane v15, v1;
	_ =	sdelay $0x1  }
0x68: {  	v16 =	vadd.s32 v2, v16;
	_ =	sdelay $0x3  }
0x69: {  	s24 =	simm.s32 $0xC100;
	v15 =	vperm.xlane v15, v4  }
0x6a: {  	[tilespmem:s24], [sflag:$0x1] =	stream.indirect_vreg.gather [hbm4b:s2+s4], $0x80, v16, vm0, $0xb8;
	[tilespmem:$0x1C100] =	vst v63  }
0x6b: {  	s25 =	simm.s32 $0xC900;
	v15 =	vadd.s32 v2, v15  }
0x6c: {  	[tilespmem:s25], [sflag:$0x1] =	stream.indirect_vreg.gather [hbm4b:s7+s4], $0x80, v16, vm0, $0xb8;
	[tilespmem:$0x1C100] =	vst v63  }
0x6d: {  	s19 =	simm.s32 $0xD100  }
0x6e: {  	[tilespmem:s19], [sflag:$0x1] =	stream.indirect_vreg.gather [hbm4b:s8+s4], $0x80, v16, vm0, $0xb8;
	[tilespmem:$0x1C100] =	vst v63  }
0x6f: {  	s20 =	simm.s32 $0xD900  }
0x70: {  	[tilespmem:s20], [sflag:$0x1] =	stream.indirect_vreg.gather [hbm4b:s2+s4], $0x80, v15, vm0, $0xb8;
	[tilespmem:$0x1C100] =	vst v63  }
0x71: {  	s21 =	simm.s32 $0xE100  }
0x72: {  	[tilespmem:s21], [sflag:$0x1] =	stream.indirect_vreg.gather [hbm4b:s7+s4], $0x80, v15, vm0, $0xb8;
	[tilespmem:$0x1C100] =	vst v63  }
0x73: {  	s22 =	simm.s32 $0xE900  }
0x74: {  	[tilespmem:s22], [sflag:$0x1] =	stream.indirect_vreg.gather [hbm4b:s8+s4], $0x80, v15, vm0, $0xb8;
	[tilespmem:$0x1C100] =	vst v63  }
0x75: {  	v15 =	vld [tilespmem:s17+$0x50];
	_ =	sdelay $0x4  }
0x76: {  	v61 =	vshrl.u32 v15, $0x3  }
0x77: {  	v16 =	vmul.u32 $0x30, v61  }
0x78: {  	v15 =	vand.u32 $0x7, v15  }
0x79: {  	v15 =	vor.u32 v15, v16  }
0x7a: {  	v16 =	vperm.xlane v15, v1;
	_ =	sdelay $0x1  }
0x7b: {  	v16 =	vadd.s32 v2, v16;
	_ =	sdelay $0x3  }
0x7c: {  	s23 =	simm.s32 $0xF100;
	v15 =	vperm.xlane v15, v4  }
0x7d: {  	[tilespmem:s23], [sflag:$0x1] =	stream.indirect_vreg.gather [hbm4b:s2+s4], $0x80, v16, vm0, $0xb8;
	[tilespmem:$0x1C100] =	vst v63  }
0x7e: {  	s24 =	simm.s32 $0xF900;
	v15 =	vadd.s32 v2, v15  }
0x7f: {  	[tilespmem:s24], [sflag:$0x1] =	stream.indirect_vreg.gather [hbm4b:s7+s4], $0x80, v16, vm0, $0xb8;
	[tilespmem:$0x1C100] =	vst v63  }
0x80: {  	s25 =	simm.s32 $0x10100  }
0x81: {  	[tilespmem:s25], [sflag:$0x1] =	stream.indirect_vreg.gather [hbm4b:s8+s4], $0x80, v16, vm0, $0xb8;
	[tilespmem:$0x1C100] =	vst v63  }
0x82: {  	s19 =	simm.s32 $0x10900  }
0x83: {  	[tilespmem:s19], [sflag:$0x1] =	stream.indirect_vreg.gather [hbm4b:s2+s4], $0x80, v15, vm0, $0xb8;
	[tilespmem:$0x1C100] =	vst v63  }
0x84: {  	s20 =	simm.s32 $0x11100  }
0x85: {  	[tilespmem:s20], [sflag:$0x1] =	stream.indirect_vreg.gather [hbm4b:s7+s4], $0x80, v15, vm0, $0xb8;
	[tilespmem:$0x1C100] =	vst v63  }
0x86: {  	s21 =	simm.s32 $0x11900  }
0x87: {  	[tilespmem:s21], [sflag:$0x1] =	stream.indirect_vreg.gather [hbm4b:s8+s4], $0x80, v15, vm0, $0xb8;
	[tilespmem:$0x1C100] =	vst v63  }
0x88: {  	v15 =	vld [tilespmem:s17+$0x60];
	_ =	sdelay $0x4  }
0x89: {  	v62 =	vshrl.u32 v15, $0x3  }
0x8a: {  	v16 =	vmul.u32 $0x30, v62  }
0x8b: {  	v15 =	vand.u32 $0x7, v15  }
0x8c: {  	v15 =	vor.u32 v15, v16  }
0x8d: {  	v16 =	vperm.xlane v15, v1;
	_ =	sdelay $0x1  }
0x8e: {  	v16 =	vadd.s32 v2, v16;
	_ =	sdelay $0x3  }
0x8f: {  	s22 =	simm.s32 $0x12100;
	v15 =	vperm.xlane v15, v4  }
0x90: {  	[tilespmem:s22], [sflag:$0x1] =	stream.indirect_vreg.gather [hbm4b:s2+s4], $0x80, v16, vm0, $0xb8;
	[tilespmem:$0x1C100] =	vst v63  }
0x91: {  	s23 =	simm.s32 $0x12900;
	v15 =	vadd.s32 v2, v15  }
0x92: {  	[tilespmem:s23], [sflag:$0x1] =	stream.indirect_vreg.gather [hbm4b:s7+s4], $0x80, v16, vm0, $0xb8;
	[tilespmem:$0x1C100] =	vst v63  }
0x93: {  	_ = 	snop  }
0x94: {  	[tilespmem:s26], [sflag:$0x1] =	stream.indirect_vreg.gather [hbm4b:s8+s4], $0x80, v16, vm0, $0xb8;
	[tilespmem:$0x1C100] =	vst v63  }
0x95: {  	_ = 	snop  }
0x96: {  	[tilespmem:s28], [sflag:$0x1] =	stream.indirect_vreg.gather [hbm4b:s2+s4], $0x80, v15, vm0, $0xb8;
	[tilespmem:$0x1C100] =	vst v63  }
0x97: {  	_ = 	snop  }
0x98: {  	[tilespmem:s29], [sflag:$0x1] =	stream.indirect_vreg.gather [hbm4b:s7+s4], $0x80, v15, vm0, $0xb8;
	[tilespmem:$0x1C100] =	vst v63  }
0x99: {  	_ = 	snop  }
0x9a: {  	[tilespmem:s30], [sflag:$0x1] =	stream.indirect_vreg.gather [hbm4b:s8+s4], $0x80, v15, vm0, $0xb8;
	[tilespmem:$0x1C100] =	vst v63  }
0x9b: {  	v15 =	vld [tilespmem:s17+$0x70];
	_ =	sdelay $0x4  }
0x9c: {  	v63 =	vshrl.u32 v15, $0x3  }
0x9d: {  	v16 =	vmul.u32 $0x30, v63  }
0x9e: {  	v15 =	vand.u32 $0x7, v15  }
0x9f: {  	v15 =	vor.u32 v15, v16  }
0xa0: {  	v16 =	vperm.xlane v15, v1;
	_ =	sdelay $0x1  }
0xa1: {  	v16 =	vadd.s32 v2, v16;
	_ =	sdelay $0x3  }
0xa2: {  	v15 =	vperm.xlane v15, v4  }
0xa3: {  	[tilespmem:s31], [sflag:$0x1] =	stream.indirect_vreg.gather [hbm4b:s2+s4], $0x80, v16, vm0, $0xb8;
	[tilespmem:$0x1C100] =	vst v63  }
0xa4: {  	v15 =	vadd.s32 v2, v15  }
0xa5: {  	[tilespmem:s0], [sflag:$0x1] =	stream.indirect_vreg.gather [hbm4b:s7+s4], $0x80, v16, vm0, $0xb8;
	[tilespmem:$0x1C100] =	vst v63  }
0xa6: {  	_ = 	snop  }
0xa7: {  	[tilespmem:s1], [sflag:$0x1] =	stream.indirect_vreg.gather [hbm4b:s8+s4], $0x80, v16, vm0, $0xb8;
	[tilespmem:$0x1C100] =	vst v63  }
0xa8: {  	_ = 	snop  }
0xa9: {  	[tilespmem:s6], [sflag:$0x1] =	stream.indirect_vreg.gather [hbm4b:s2+s4], $0x80, v15, vm0, $0xb8;
	[tilespmem:$0x1C100] =	vst v63  }
0xaa: {  	_ = 	snop  }
0xab: {  	[tilespmem:s10], [sflag:$0x1] =	stream.indirect_vreg.gather [hbm4b:s7+s4], $0x80, v15, vm0, $0xb8;
	[tilespmem:$0x1C100] =	vst v63  }
0xac: {  	s18 =	simm.s32 @p2 $0x2  }
0xad: {  	[tilespmem:s11], [sflag:$0x1] =	stream.indirect_vreg.gather [hbm4b:s8+s4], $0x80, v15, vm0, $0xb8;
	[tilespmem:$0x1C100] =	vst v63  }
0xae: {  	_ =	swait.ge @p2 [sflag:s18], $0x2000  }
0xaf: {  	[sflag:s18] =	ssyncset.done @p2 $0x0  }
0xb0: {  	[sflag:s18] =	ssyncadd.s32 @p2 $0xFFFFE000;
	s18 =	simm.s32 @p2 $0x3  }
0xb1: {  	_ =	swait.ge @p2 [sflag:s18], $0x2000  }
0xb2: {  	[sflag:s18] =	ssyncset.done @p2 $0x0  }
0xb3: {  	[sflag:s18] =	ssyncadd.s32 @p2 $0xFFFFE000  }
0xb4: {  	_ =	swait.ge [sflag:s3], $0x18000  }
0xb5: {  	[sflag:s3] =	ssyncset.done $0x0  }
0xb6: {  	[sflag:s3] =	ssyncadd.s32 $0xFFFE8000  }
0xb7: {  	s24 =	sor.u32 s5, s17;
	s25 =	rddreg [dreg:$0x2]  }
0xb8: {  	p0 =	por p1, p1;
	s18 =	simm.s32 $0x0;
	s17 =	sadd.s32 s25, s24  }
.LBB2_3:
0xb9: {  	p1 =	seq.s32 s18, $0x0  }
0xba: {  	s19 =	sshll.u32 s18, $0x7;
	s20 =	simm.s32 @!p1 $0x2  }
0xbb: {  	v15 =	vmov s19;
	_ =	swait.ge @!p1 [sflag:s20], $0x2000  }
0xbc: {  	v15 =	vshll.u32 v15, $0x3;
	[sflag:s20] =	ssyncset.done @!p1 $0x0  }
0xbd: {  	s19 =	sshll.u32 s18, $0x1;
	v15 =	vbroadcast v15, $0x0;
	[sflag:s20] =	ssyncadd.s32 @!p1 $0xFFFFE000;
	s20 =	simm.s32 $0x0  }
.LBB2_4:
0xbe: {  	s21 =	simm.s32 $0x1  }
0xbf: {  	s22 =	sshll.u32 s20, $0x4;
	s23 =	simm.s32 $0x2;
	v16 =	vadd.s32 s21, v0  }
0xc0: {  	v18 =	vmov s22;
	v19 =	vadd.s32 s23, v0;
	v17 =	vand.u32 $0xF, v16  }
0xc1: {  	v16 =	vshll.u32 v16, $0x7;
	v27 =	vor.u32 v18, v17;
	v17 =	vand.u32 $0xF, v19  }
0xc2: {  	v16 =	vand.u32 $0x380, v16;
	v19 =	vshll.u32 v19, $0x7;
	v20 =	vshrl.u32 v27, $0x3  }
0xc3: {  	s24 =	simm.s32 $0x0;
	v21 =	vor.u32 v18, v17;
	v42 =	vor.u32 v8, v27;
	v37 =	vor.u32 v3, v27  }
0xc4: {  	v40 =	vor.u32 v6, v27;
	v17 =	vmul.u32 $0x1800, v20;
	v20 =	vadd.s32 s24, v0  }
0xc5: {  	v22 =	vshrl.u32 v21, $0x3;
	v39 =	vor.u32 v8, v21;
	v45 =	vor.u32 v6, v21  }
0xc6: {  	s24 =	simm.s32 $0x4;
	v22 =	vmul.u32 $0x1800, v22;
	v23 =	vand.u32 $0xF, v20;
	v20 =	vshll.u32 v20, $0x7  }
0xc7: {  	v49 =	vadd.s32 s24, v0;
	v17 =	vadd.s32 v15, v17;
	v29 =	vor.u32 v18, v23  }
0xc8: {  	v20 =	vand.u32 $0x380, v20;
	v52 =	vand.u32 $0xF, v49;
	v24 =	vor.u32 v16, v17  }
0xc9: {  	v16 =	vadd.s32 v15, v22;
	v17 =	vand.u32 $0x380, v19;
	v25 =	vshrl.u32 v29, $0x3  }
0xca: {  	s25 =	simm.s32 $0x3;
	v30 =	vor.u32 v3, v29;
	v41 =	vor.u32 v6, v29;
	v19 =	vor.u32 v0, v24  }
0xcb: {  	v22 =	vor.u32 v17, v16;
	v17 =	vadd.s32 s25, v0;
	v16 =	vor.u32 v10, v21  }
0xcc: {  	v25 =	vmul.u32 $0x1800, v25;
	v33 =	vor.u32 v5, v24;
	v38 =	vor.u32 v9, v24  }
0xcd: {  	v24 =	vor.u32 v7, v24;
	v23 =	vor.u32 v0, v22;
	v26 =	vand.u32 $0xF, v17  }
0xce: {  	v31 =	vor.u32 v9, v22;
	v28 =	vor.u32 v18, v26;
	v25 =	vadd.s32 v15, v25  }
0xcf: {  	v17 =	vshll.u32 v17, $0x7;
	v26 =	vshrl.u32 v28, $0x3;
	v32 =	vor.u32 v20, v25  }
0xd0: {  	s23 =	simm.s32 $0x6;
	s25 =	simm.s32 $0x7;
	v35 =	vor.u32 v5, v22;
	v26 =	vmul.u32 $0x1800, v26;
	v20 =	vor.u32 v0, v32  }
0xd1: {  	v46 =	vor.u32 v7, v22;
	v22 =	vadd.s32 s23, v0;
	v61 =	vadd.s32 s25, v0;
	v19 =	vld.idx.msk [tilespmem:v19+s12+$0x0], $0xffff  }
0xd2: {  	v50 =	vand.u32 $0xF, v22;
	v25 =	vand.u32 $0x380, v17;
	v26 =	vadd.s32 v15, v26;
	v23 =	vld.idx.msk [tilespmem:v23+s12+$0x0], $0xffff  }
0xd3: {  	v22 =	vshll.u32 v22, $0x7;
	v17 =	vor.u32 v10, v28;
	v34 =	vor.u32 v25, v26  }
0xd4: {  	s22 =	simm.s32 $0x5;
	v44 =	vor.u32 v6, v28;
	v25 =	vor.u32 v3, v21;
	v26 =	vor.u32 v0, v34  }
0xd5: {  	v51 =	vor.u32 v3, v28;
	v56 =	vor.u32 v18, v50;
	v21 =	vadd.s32 s22, v0;
	v20 =	vld.idx.msk [tilespmem:v20+s12+$0x0], $0xffff  }
0xd6: {  	v22 =	vand.u32 $0x380, v22;
	v36 =	vmul.f32 $8.000000000e+00, v19;
	v19 =	vand.u32 $0xF, v21  }
0xd7: {  	v43 =	vor.u32 v5, v32;
	v23 =	vmul.f32 $8.000000000e+00, v23;
	v19 =	vor.u32 v18, v19  }
0xd8: {  	v47 =	vor.u32 v7, v32;
	v48 =	vor.u32 v7, v34;
	v59 =	vshrl.u32 v19, $0x3  }
0xd9: {  	v21 =	vshll.u32 v21, $0x7;
	v26 =	vld.idx.msk [tilespmem:v26+s12+$0x0], $0xffff;
	[tilespmem:v25+s13+$0x0] =	vst.idx.msk $0xffff, v23;
	v25 =	vshrl.u32 v56, $0x3;
	v50 =	vmul.u32 $0x1800, v59  }
0xda: {  	v21 =	vand.u32 $0x380, v21;
	[tilespmem:v37+s13+$0x0] =	vst.idx.msk $0xffff, v36;
	v25 =	vmul.u32 $0x1800, v25;
	v20 =	vmul.f32 $8.000000000e+00, v20  }
0xdb: {  	v23 =	vor.u32 v5, v34;
	v60 =	vadd.s32 v15, v50;
	v50 =	vor.u32 v8, v29  }
0xdc: {  	v35 =	vld.idx.msk [tilespmem:v35+s12+$0x0], $0xffff;
	v25 =	vadd.s32 v15, v25;
	[tilespmem:v30+s13+$0x0] =	vst.idx.msk $0xffff, v20;
	v57 =	vor.u32 v21, v60  }
0xdd: {  	v33 =	vld.idx.msk [tilespmem:v33+s12+$0x0], $0xffff;
	v20 =	vor.u32 v10, v56;
	v21 =	vor.u32 v18, v52;
	v58 =	vor.u32 v22, v25  }
0xde: {  	v30 =	vld.idx.msk [tilespmem:v43+s12+$0x0], $0xffff;
	v36 =	vor.u32 v0, v57;
	v22 =	vshrl.u32 v21, $0x3;
	v26 =	vmul.f32 $8.000000000e+00, v26  }
0xdf: {  	v43 =	vshll.u32 v61, $0x7;
	v37 =	vor.u32 v0, v58;
	v25 =	vor.u32 v9, v58  }
0xe0: {  	v63 =	vmul.u32 $0x1800, v22;
	v60 =	vand.u32 $0x380, v43;
	v43 =	vor.u32 v8, v19;
	[tilespmem:v51+s13+$0x0] =	vst.idx.msk $0xffff, v26  }
0xe1: {  	v35 =	vmul.f32 $8.000000000e+00, v35;
	v26 =	vor.u32 v3, v21;
	v62 =	vld.idx.msk [tilespmem:v23+s12+$0x0], $0xffff;
	v23 =	vand.u32 $0xF, v61  }
0xe2: {  	v54 =	vadd.s32 v15, v63;
	v22 =	vor.u32 v18, v23;
	v23 =	vmul.f32 $8.000000000e+00, v33  }
0xe3: {  	[tilespmem:v45+s13+$0x0] =	vst.idx.msk $0xffff, v35;
	v35 =	vor.u32 v8, v28;
	v28 =	vor.u32 v10, v27;
	v30 =	vmul.f32 $8.000000000e+00, v30  }
0xe4: {  	v52 =	vshll.u32 v49, $0x7;
	v27 =	vor.u32 v10, v29;
	v45 =	vld.idx.msk [tilespmem:v46+s12+$0x0], $0xffff;
	v53 =	vshrl.u32 v22, $0x3;
	[tilespmem:v40+s13+$0x0] =	vst.idx.msk $0xffff, v23  }
0xe5: {  	v33 =	vand.u32 $0x380, v52;
	v29 =	vor.u32 v6, v22;
	v55 =	vmul.u32 $0x1800, v53;
	[tilespmem:v41+s13+$0x0] =	vst.idx.msk $0xffff, v30;
	v30 =	vld.idx.msk [tilespmem:v36+s12+$0x0], $0xffff  }
0xe6: {  	v23 =	vor.u32 v33, v54;
	v33 =	vor.u32 v5, v57;
	v40 =	vor.u32 v9, v57;
	v51 =	vld.idx.msk [tilespmem:v47+s12+$0x0], $0xffff  }
0xe7: {  	v41 =	vor.u32 v8, v56;
	v46 =	vld.idx.msk [tilespmem:v24+s12+$0x0], $0xffff;
	v59 =	vor.u32 v0, v23;
	v61 =	vadd.s32 v15, v55  }
0xe8: {  	v24 =	vor.u32 v10, v22;
	v49 =	vmul.f32 $8.000000000e+00, v62;
	v36 =	vor.u32 v60, v61;
	v60 =	vld.idx.msk [tilespmem:v37+s12+$0x0], $0xffff  }
0xe9: {  	v47 =	vor.u32 v5, v58;
	v55 =	vor.u32 v3, v19;
	v61 =	vor.u32 v3, v56  }
0xea: {  	v37 =	vor.u32 v9, v32;
	v45 =	vmul.f32 $8.000000000e+00, v45;
	v32 =	vor.u32 v6, v19;
	[tilespmem:v44+s13+$0x0] =	vst.idx.msk $0xffff, v49  }
0xeb: {  	v52 =	vor.u32 v0, v36;
	v49 =	vor.u32 v9, v34;
	v53 =	vld.idx.msk [tilespmem:v48+s12+$0x0], $0xffff;
	v62 =	vmul.f32 $8.000000000e+00, v51  }
0xec: {  	v34 =	vor.u32 v7, v23;
	v44 =	vor.u32 v7, v57;
	[tilespmem:v39+s13+$0x0] =	vst.idx.msk $0xffff, v45;
	v46 =	vmul.f32 $8.000000000e+00, v46  }
0xed: {  	v54 =	vmul.f32 $8.000000000e+00, v30;
	v30 =	vor.u32 v6, v21;
	v63 =	vmul.f32 $8.000000000e+00, v60;
	[tilespmem:v50+s13+$0x0] =	vst.idx.msk $0xffff, v62;
	v50 =	vld.idx.msk [tilespmem:v31+s12+$0x0], $0xffff  }
0xee: {  	v48 =	vor.u32 v5, v23;
	[tilespmem:v42+s13+$0x0] =	vst.idx.msk $0xffff, v46;
	v46 =	vor.u32 v6, v56;
	v56 =	vld.idx.msk [tilespmem:v59+s12+$0x0], $0xffff  }
0xef: {  	s21 =	simm.s32 $0x8;
	v45 =	vor.u32 v7, v58;
	v31 =	vor.u32 v7, v36;
	v51 =	vld.idx.msk [tilespmem:v38+s12+$0x0], $0xffff;
	[tilespmem:v61+s13+$0x0] =	vst.idx.msk $0xffff, v63  }
.LBB2_5:
0xf0: {  	v57 =	vadd.s32 s21, v0;
	s23 =	sadd.s32 $0x1, s21;
	s24 =	sadd.s32 $0x2, s21;
	s22 =	sadd.s32 $0x3, s21;
	[tilespmem:v55+s13+$0x0] =	vst.idx.msk $0xffff, v54;
	v52 =	vld.idx.msk [tilespmem:v52+s12+$0x0], $0xffff;
	v54 =	vor.u32 v3, v22;
	v60 =	vmul.f32 $8.000000000e+00, v53  }
0xf1: {  	p2 =	slt.u32 s21, $0xC;
	s21 =	sadd.s32 $0x4, s21;
	v58 =	vor.u32 v5, v36;
	v38 =	vmovc v25;
	v42 =	vmovc v36;
	v53 =	vadd.s32 s23, v0;
	v55 =	vadd.s32 s24, v0;
	v47 =	vld.idx.msk [tilespmem:v47+s12+$0x0], $0xffff  }
0xf2: {  	v39 =	vmovc v40;
	v25 =	vand.u32 $0xF, v57;
	v36 =	vand.u32 $0xF, v53;
	v59 =	vand.u32 $0xF, v55;
	v37 =	vld.idx.msk [tilespmem:v37+s12+$0x0], $0xffff;
	[tilespmem:v35+s13+$0x0] =	vst.idx.msk $0xffff, v60  }
0xf3: {  	v35 =	vmul.f32 $8.000000000e+00, v50;
	v40 =	vor.u32 v18, v36;
	v59 =	vor.u32 v18, v59;
	v36 =	vld.idx.msk [tilespmem:v49+s12+$0x0], $0xffff;
	v49 =	vmovc v41  }
0xf4: {  	v51 =	vmul.f32 $8.000000000e+00, v51;
	v41 =	vshrl.u32 v40, $0x3;
	v50 =	vshrl.u32 v59, $0x3;
	v60 =	vmovc v43  }
0xf5: {  	v41 =	vmul.u32 $0x1800, v41;
	v43 =	vmul.u32 $0x1800, v50;
	v50 =	vmul.f32 $8.000000000e+00, v56  }
0xf6: {  	v53 =	vshll.u32 v53, $0x7;
	v55 =	vshll.u32 v55, $0x7;
	v56 =	vor.u32 v10, v59;
	v33 =	vld.idx.msk [tilespmem:v33+s12+$0x0], $0xffff;
	[tilespmem:v16+s13+$0x0] =	vst.idx.msk $0xffff, v35  }
0xf7: {  	v35 =	vadd.s32 v15, v41;
	v41 =	vadd.s32 v15, v43;
	[tilespmem:v26+s13+$0x0] =	vst.idx.msk $0xffff, v50;
	v26 =	vmul.f32 $8.000000000e+00, v52  }
0xf8: {  	v16 =	vmovc v20;
	v43 =	vand.u32 $0x380, v53;
	v50 =	vand.u32 $0x380, v55;
	v37 =	vmul.f32 $8.000000000e+00, v37;
	v48 =	vld.idx.msk [tilespmem:v48+s12+$0x0], $0xffff;
	[tilespmem:v28+s13+$0x0] =	vst.idx.msk $0xffff, v51  }
0xf9: {  	v61 =	vor.u32 v43, v35;
	v51 =	vor.u32 v50, v41;
	[tilespmem:v54+s13+$0x0] =	vst.idx.msk $0xffff, v26;
	v26 =	vmul.f32 $8.000000000e+00, v36  }
0xfa: {  	v20 =	vmovc v56;
	v28 =	vor.u32 v0, v61;
	v35 =	vor.u32 v0, v51;
	v36 =	vmul.f32 $8.000000000e+00, v47;
	v41 =	vld.idx.msk [tilespmem:v58+s12+$0x0], $0xffff  }
0xfb: {  	v50 =	vor.u32 v18, v25;
	v43 =	vadd.s32 s22, v0;
	v25 =	vor.u32 v9, v51;
	[tilespmem:v17+s13+$0x0] =	vst.idx.msk $0xffff, v26  }
0xfc: {  	v47 =	vand.u32 $0xF, v43;
	v43 =	vshll.u32 v43, $0x7;
	v26 =	vshrl.u32 v50, $0x3;
	v17 =	vmovc v24;
	[tilespmem:v27+s13+$0x0] =	vst.idx.msk $0xffff, v37  }
0xfd: {  	v33 =	vmul.f32 $8.000000000e+00, v33;
	v24 =	vmul.u32 $0x1800, v26;
	v27 =	vor.u32 v18, v47;
	[tilespmem:v46+s13+$0x0] =	vst.idx.msk $0xffff, v36  }
0xfe: {  	v26 =	vor.u32 v3, v50;
	v36 =	vshll.u32 v57, $0x7;
	v37 =	vshrl.u32 v27, $0x3;
	v45 =	vld.idx.msk [tilespmem:v45+s12+$0x0], $0xffff  }
0xff: {  	v46 =	vmul.f32 $8.000000000e+00, v48;
	v24 =	vadd.s32 v15, v24;
	v36 =	vand.u32 $0x380, v36;
	[tilespmem:v32+s13+$0x0] =	vst.idx.msk $0xffff, v33  }
0x100: {  	v32 =	vor.u32 v36, v24;
	v24 =	vmul.u32 $0x1800, v37;
	v48 =	vmul.f32 $8.000000000e+00, v41;
	v44 =	vld.idx.msk [tilespmem:v44+s12+$0x0], $0xffff  }
0x101: {  	v56 =	vor.u32 v0, v32;
	v53 =	vld.idx.msk [tilespmem:v28+s12+$0x0], $0xffff;
	v28 =	vand.u32 $0x380, v43;
	[tilespmem:v30+s13+$0x0] =	vst.idx.msk $0xffff, v46  }
0x102: {  	v30 =	vadd.s32 v15, v24;
	v24 =	vor.u32 v10, v27;
	v46 =	vor.u32 v8, v21;
	v34 =	vld.idx.msk [tilespmem:v34+s12+$0x0], $0xffff  }
0x103: {  	v33 =	vor.u32 v5, v61;
	v36 =	vor.u32 v28, v30;
	v57 =	vld.idx.msk [tilespmem:v35+s12+$0x0], $0xffff;
	v35 =	vor.u32 v8, v22  }
0x104: {  	v58 =	vor.u32 v3, v59;
	v37 =	vor.u32 v9, v23;
	v52 =	vor.u32 v0, v36;
	v22 =	vmovc v27  }
0x105: {  	v47 =	vor.u32 v5, v51;
	v23 =	vmovc v32;
	v28 =	vor.u32 v10, v19;
	v19 =	vmovc v40;
	v45 =	vmul.f32 $8.000000000e+00, v45  }
0x106: {  	v41 =	vor.u32 v8, v59;
	v40 =	vor.u32 v9, v61;
	v30 =	vmul.f32 $8.000000000e+00, v44;
	[tilespmem:v29+s13+$0x0] =	vst.idx.msk $0xffff, v48  }
0x107: {  	v43 =	vor.u32 v8, v19;
	v27 =	vor.u32 v10, v21;
	v21 =	vmovc v50;
	v54 =	vmul.f32 $8.000000000e+00, v53;
	v53 =	vld.idx.msk [tilespmem:v31+s12+$0x0], $0xffff  }
.Ltmp0:
0x108: {  	v55 =	vor.u32 v3, v19;
	v32 =	vor.u32 v6, v19;
	v31 =	vmul.f32 $8.000000000e+00, v34;
	[tilespmem:v60+s13+$0x0] =	vst.idx.msk $0xffff, v30;
	(pc) =	sbr.rel @p2 .LBB2_5-.Ltmp0, $4  }
0x109: {  	v30 =	vor.u32 v6, v21;
	v34 =	vmul.f32 $8.000000000e+00, v57;
	[tilespmem:v49+s13+$0x0] =	vst.idx.msk $0xffff, v45;
	v49 =	vor.u32 v9, v42  }
0x10a: {  	v48 =	vor.u32 v5, v23;
	v29 =	vor.u32 v6, v22;
	[tilespmem:v46+s13+$0x0] =	vst.idx.msk $0xffff, v31;
	v50 =	vld.idx.msk [tilespmem:v38+s12+$0x0], $0xffff  }
0x10b: {  	v45 =	vor.u32 v7, v51;
	v46 =	vor.u32 v6, v59;
	[tilespmem:v58+s13+$0x0] =	vst.idx.msk $0xffff, v34;
	v51 =	vld.idx.msk [tilespmem:v39+s12+$0x0], $0xffff  }
0x10c: {  	v44 =	vor.u32 v7, v61;
	v31 =	vor.u32 v7, v36;
	v34 =	vor.u32 v7, v23;
	v56 =	vld.idx.msk [tilespmem:v56+s12+$0x0], $0xffff  }
0x10d: {  	_ =	sdelay $0x3  }
0x10e: {  	v18 =	vld.idx.msk [tilespmem:v52+s12+$0x0], $0xffff;
	_ =	sdelay $0x1  }
0x10f: {  	v38 =	vor.u32 v3, v22  }
0x110: {  	v39 =	vor.u32 v5, v36  }
0x111: {  	v63 =	vmul.f32 $8.000000000e+00, v56  }
0x112: {  	[tilespmem:v55+s13+$0x0] =	vst.idx.msk $0xffff, v54;
	v42 =	vld.idx.msk [tilespmem:v47+s12+$0x0], $0xffff;
	v18 =	vmul.f32 $8.000000000e+00, v18  }
0x113: {  	v33 =	vld.idx.msk [tilespmem:v33+s12+$0x0], $0xffff;
	[tilespmem:v26+s13+$0x0] =	vst.idx.msk $0xffff, v63  }
0x114: {  	[tilespmem:v38+s13+$0x0] =	vst.idx.msk $0xffff, v18;
	v26 =	vld.idx.msk [tilespmem:v48+s12+$0x0], $0xffff  }
0x115: {  	v18 =	vld.idx.msk [tilespmem:v39+s12+$0x0], $0xffff;
	_ =	sdelay $0x1  }
0x116: {  	v47 =	vmul.f32 $8.000000000e+00, v42  }
0x117: {  	v33 =	vmul.f32 $8.000000000e+00, v33  }
0x118: {  	[tilespmem:v46+s13+$0x0] =	vst.idx.msk $0xffff, v47;
	v26 =	vmul.f32 $8.000000000e+00, v26  }
0x119: {  	v38 =	vld.idx.msk [tilespmem:v45+s12+$0x0], $0xffff;
	[tilespmem:v32+s13+$0x0] =	vst.idx.msk $0xffff, v33;
	v18 =	vmul.f32 $8.000000000e+00, v18  }
0x11a: {  	v32 =	vld.idx.msk [tilespmem:v44+s12+$0x0], $0xffff;
	[tilespmem:v30+s13+$0x0] =	vst.idx.msk $0xffff, v26  }
0x11b: {  	v48 =	vmul.f32 $8.000000000e+00, v53;
	[tilespmem:v29+s13+$0x0] =	vst.idx.msk $0xffff, v18;
	v52 =	vld.idx.msk [tilespmem:v34+s12+$0x0], $0xffff  }
0x11c: {  	v18 =	vld.idx.msk [tilespmem:v31+s12+$0x0], $0xffff  }
0x11d: {  	v54 =	vor.u32 v8, v21;
	v59 =	vmul.f32 $8.000000000e+00, v50;
	[tilespmem:v35+s13+$0x0] =	vst.idx.msk $0xffff, v48  }
0x11e: {  	v23 =	vor.u32 v9, v23;
	v53 =	vor.u32 v8, v22;
	v57 =	vld.idx.msk [tilespmem:v49+s12+$0x0], $0xffff;
	v55 =	vmul.f32 $8.000000000e+00, v38  }
0x11f: {  	v56 =	vor.u32 v9, v36;
	[tilespmem:v16+s13+$0x0] =	vst.idx.msk $0xffff, v59;
	v32 =	vmul.f32 $8.000000000e+00, v32  }
0x120: {  	v58 =	vld.idx.msk [tilespmem:v37+s12+$0x0], $0xffff;
	[tilespmem:v41+s13+$0x0] =	vst.idx.msk $0xffff, v55;
	v29 =	vmul.f32 $8.000000000e+00, v52  }
0x121: {  	[tilespmem:v43+s13+$0x0] =	vst.idx.msk $0xffff, v32;
	v25 =	vld.idx.msk [tilespmem:v25+s12+$0x0], $0xffff;
	v18 =	vmul.f32 $8.000000000e+00, v18  }
0x122: {  	v32 =	vld.idx.msk [tilespmem:v40+s12+$0x0], $0xffff;
	[tilespmem:v54+s13+$0x0] =	vst.idx.msk $0xffff, v29  }
0x123: {  	v16 =	vmul.f32 $8.000000000e+00, v57;
	[tilespmem:v53+s13+$0x0] =	vst.idx.msk $0xffff, v18;
	v23 =	vld.idx.msk [tilespmem:v23+s12+$0x0], $0xffff  }
0x124: {  	v19 =	vor.u32 v10, v19;
	v60 =	vmul.f32 $8.000000000e+00, v51;
	v22 =	vld.idx.msk [tilespmem:v56+s12+$0x0], $0xffff  }
0x125: {  	s20 =	sadd.s32 $0x1, s20;
	v61 =	vmul.f32 $8.000000000e+00, v58;
	[tilespmem:v17+s13+$0x0] =	vst.idx.msk $0xffff, v16;
	v16 =	vor.u32 v10, v21  }
0x126: {  	p2 =	sne.s32 s20, $0x8;
	[tilespmem:v28+s13+$0x0] =	vst.idx.msk $0xffff, v60;
	v17 =	vmul.f32 $8.000000000e+00, v25  }
.Ltmp1:
0x127: {  	[tilespmem:v27+s13+$0x0] =	vst.idx.msk $0xffff, v61;
	v62 =	vmul.f32 $8.000000000e+00, v32;
	(pc) =	sbr.rel @p2 .LBB2_4-.Ltmp1, $4  }
0x128: {  	[tilespmem:v20+s13+$0x0] =	vst.idx.msk $0xffff, v17;
	v63 =	vmul.f32 $8.000000000e+00, v23  }
0x129: {  	[tilespmem:v19+s13+$0x0] =	vst.idx.msk $0xffff, v62;
	v17 =	vmul.f32 $8.000000000e+00, v22  }
0x12a: {  	[tilespmem:v16+s13+$0x0] =	vst.idx.msk $0xffff, v63  }
0x12b: {  	[tilespmem:v24+s13+$0x0] =	vst.idx.msk $0xffff, v17  }
0x12c: {  	s20 =	sshll.u32 s18, $0x12  }
0x12d: {  	s20 =	sadd.s32 s9, s20  }
0x12e: {  	s19 =	sor.u32 $0x1, s19;
	s20 =	sshrl.u32 s20, $0x3  }
0x12f: {  	s21 =	simm.s32 @!p1 $0x3;
	s25 =	sshll.u32 s19, $0x6;
	s20 =	sadd.s32 s20, s17  }
0x130: {  	v15 =	vmov s25;
	[hbm4b:s20+s14] =	stream.strided.scatter [tilespmem:s13], [sflag:$0x2], $0x2000, s15, s14, $0x38;
	[tilespmem:$0x1C100] =	vst v63  }
0x131: {  	v15 =	vshll.u32 v15, $0x3;
	_ =	swait.ge @!p1 [sflag:s21], $0x2000  }
0x132: {  	v15 =	vand.u32 $0x7FFFFC00, v15;
	[sflag:s21] =	ssyncset.done @!p1 $0x0  }
0x133: {  	s20 =	simm.s32 $0x0;
	v15 =	vbroadcast v15, $0x0;
	[sflag:s21] =	ssyncadd.s32 @!p1 $0xFFFFE000;
	s21 =	simm.s32 $0x0  }
.LBB2_8:
0x134: {  	s22 =	simm.s32 $0x1  }
0x135: {  	s23 =	sshll.u32 s21, $0x4;
	s25 =	simm.s32 $0x2;
	v16 =	vadd.s32 s22, v0  }
0x136: {  	v18 =	vmov s23;
	v19 =	vadd.s32 s25, v0;
	v17 =	vand.u32 $0xF, v16  }
0x137: {  	v16 =	vshll.u32 v16, $0x7;
	v27 =	vor.u32 v18, v17;
	v17 =	vand.u32 $0xF, v19  }
0x138: {  	v16 =	vand.u32 $0x380, v16;
	v19 =	vshll.u32 v19, $0x7;
	v20 =	vshrl.u32 v27, $0x3  }
0x139: {  	v21 =	vor.u32 v18, v17;
	v42 =	vor.u32 v8, v27;
	v37 =	vor.u32 v3, v27  }
0x13a: {  	v40 =	vor.u32 v6, v27;
	v17 =	vmul.u32 $0x1800, v20;
	v20 =	vadd.s32 s20, v0  }
0x13b: {  	v22 =	vshrl.u32 v21, $0x3;
	v39 =	vor.u32 v8, v21;
	v45 =	vor.u32 v6, v21  }
0x13c: {  	v22 =	vmul.u32 $0x1800, v22;
	v23 =	vand.u32 $0xF, v20;
	v20 =	vshll.u32 v20, $0x7  }
0x13d: {  	v17 =	vadd.s32 v15, v17;
	v29 =	vor.u32 v18, v23;
	v20 =	vand.u32 $0x380, v20  }
0x13e: {  	v24 =	vor.u32 v16, v17;
	v16 =	vadd.s32 v15, v22;
	v17 =	vand.u32 $0x380, v19  }
0x13f: {  	s23 =	simm.s32 $0x3;
	v25 =	vshrl.u32 v29, $0x3;
	v30 =	vor.u32 v3, v29;
	v41 =	vor.u32 v6, v29  }
0x140: {  	v19 =	vor.u32 v11, v24;
	v22 =	vor.u32 v17, v16;
	v17 =	vadd.s32 s23, v0  }
0x141: {  	v16 =	vor.u32 v10, v21;
	v25 =	vmul.u32 $0x1800, v25;
	v33 =	vor.u32 v12, v24  }
0x142: {  	v38 =	vor.u32 v14, v24;
	v24 =	vor.u32 v13, v24;
	v23 =	vor.u32 v11, v22  }
0x143: {  	v26 =	vand.u32 $0xF, v17;
	v31 =	vor.u32 v14, v22;
	v17 =	vshll.u32 v17, $0x7  }
0x144: {  	v35 =	vor.u32 v12, v22;
	v28 =	vor.u32 v18, v26;
	v25 =	vadd.s32 v15, v25  }
0x145: {  	s25 =	simm.s32 $0x6;
	v46 =	vor.u32 v13, v22;
	v26 =	vshrl.u32 v28, $0x3;
	v32 =	vor.u32 v20, v25  }
0x146: {  	v22 =	vadd.s32 s25, v0;
	s25 =	simm.s32 $0x7;
	v26 =	vmul.u32 $0x1800, v26;
	v20 =	vor.u32 v11, v32  }
0x147: {  	v50 =	vand.u32 $0xF, v22;
	v22 =	vshll.u32 v22, $0x7;
	v61 =	vadd.s32 s25, v0;
	v19 =	vld.idx.msk [tilespmem:v19+s12+$0x0], $0xffff  }
0x148: {  	v25 =	vand.u32 $0x380, v17;
	v17 =	vor.u32 v10, v28;
	v26 =	vadd.s32 v15, v26;
	v23 =	vld.idx.msk [tilespmem:v23+s12+$0x0], $0xffff  }
0x149: {  	v44 =	vor.u32 v6, v28;
	v51 =	vor.u32 v3, v28;
	v34 =	vor.u32 v25, v26  }
0x14a: {  	s24 =	simm.s32 $0x5;
	v56 =	vor.u32 v18, v50;
	v25 =	vor.u32 v3, v21;
	v26 =	vor.u32 v11, v34  }
0x14b: {  	v22 =	vand.u32 $0x380, v22;
	v43 =	vor.u32 v12, v32;
	v21 =	vadd.s32 s24, v0;
	v20 =	vld.idx.msk [tilespmem:v20+s12+$0x0], $0xffff  }
0x14c: {  	v47 =	vor.u32 v13, v32;
	s24 =	simm.s32 $0x4;
	v36 =	vmul.f32 $8.000000000e+00, v19;
	v19 =	vand.u32 $0xF, v21  }
0x14d: {  	v49 =	vadd.s32 s24, v0;
	v23 =	vmul.f32 $8.000000000e+00, v23;
	v19 =	vor.u32 v18, v19  }
0x14e: {  	v48 =	vor.u32 v13, v34;
	v52 =	vand.u32 $0xF, v49;
	v59 =	vshrl.u32 v19, $0x3  }
0x14f: {  	v21 =	vshll.u32 v21, $0x7;
	v26 =	vld.idx.msk [tilespmem:v26+s12+$0x0], $0xffff;
	[tilespmem:v25+s16+$0x0] =	vst.idx.msk $0xffff, v23;
	v25 =	vshrl.u32 v56, $0x3;
	v50 =	vmul.u32 $0x1800, v59  }
0x150: {  	v21 =	vand.u32 $0x380, v21;
	[tilespmem:v37+s16+$0x0] =	vst.idx.msk $0xffff, v36;
	v25 =	vmul.u32 $0x1800, v25;
	v20 =	vmul.f32 $8.000000000e+00, v20  }
0x151: {  	v23 =	vor.u32 v12, v34;
	v60 =	vadd.s32 v15, v50;
	v50 =	vor.u32 v8, v29  }
0x152: {  	v35 =	vld.idx.msk [tilespmem:v35+s12+$0x0], $0xffff;
	v25 =	vadd.s32 v15, v25;
	[tilespmem:v30+s16+$0x0] =	vst.idx.msk $0xffff, v20;
	v57 =	vor.u32 v21, v60  }
0x153: {  	v33 =	vld.idx.msk [tilespmem:v33+s12+$0x0], $0xffff;
	v20 =	vor.u32 v10, v56;
	v21 =	vor.u32 v18, v52;
	v58 =	vor.u32 v22, v25  }
0x154: {  	v30 =	vld.idx.msk [tilespmem:v43+s12+$0x0], $0xffff;
	v36 =	vor.u32 v11, v57;
	v22 =	vshrl.u32 v21, $0x3;
	v26 =	vmul.f32 $8.000000000e+00, v26  }
0x155: {  	v43 =	vshll.u32 v61, $0x7;
	v37 =	vor.u32 v11, v58;
	v25 =	vor.u32 v14, v58  }
0x156: {  	v63 =	vmul.u32 $0x1800, v22;
	v60 =	vand.u32 $0x380, v43;
	v43 =	vor.u32 v8, v19;
	[tilespmem:v51+s16+$0x0] =	vst.idx.msk $0xffff, v26  }
0x157: {  	v35 =	vmul.f32 $8.000000000e+00, v35;
	v26 =	vor.u32 v3, v21;
	v62 =	vld.idx.msk [tilespmem:v23+s12+$0x0], $0xffff;
	v23 =	vand.u32 $0xF, v61  }
0x158: {  	v54 =	vadd.s32 v15, v63;
	v22 =	vor.u32 v18, v23;
	v23 =	vmul.f32 $8.000000000e+00, v33  }
0x159: {  	[tilespmem:v45+s16+$0x0] =	vst.idx.msk $0xffff, v35;
	v35 =	vor.u32 v8, v28;
	v28 =	vor.u32 v10, v27;
	v30 =	vmul.f32 $8.000000000e+00, v30  }
0x15a: {  	v52 =	vshll.u32 v49, $0x7;
	v27 =	vor.u32 v10, v29;
	v45 =	vld.idx.msk [tilespmem:v46+s12+$0x0], $0xffff;
	v53 =	vshrl.u32 v22, $0x3;
	[tilespmem:v40+s16+$0x0] =	vst.idx.msk $0xffff, v23  }
0x15b: {  	v33 =	vand.u32 $0x380, v52;
	v29 =	vor.u32 v6, v22;
	v55 =	vmul.u32 $0x1800, v53;
	[tilespmem:v41+s16+$0x0] =	vst.idx.msk $0xffff, v30;
	v30 =	vld.idx.msk [tilespmem:v36+s12+$0x0], $0xffff  }
0x15c: {  	v23 =	vor.u32 v33, v54;
	v33 =	vor.u32 v12, v57;
	v40 =	vor.u32 v14, v57;
	v51 =	vld.idx.msk [tilespmem:v47+s12+$0x0], $0xffff  }
0x15d: {  	v41 =	vor.u32 v8, v56;
	v46 =	vld.idx.msk [tilespmem:v24+s12+$0x0], $0xffff;
	v59 =	vor.u32 v11, v23;
	v61 =	vadd.s32 v15, v55  }
0x15e: {  	v24 =	vor.u32 v10, v22;
	v49 =	vmul.f32 $8.000000000e+00, v62;
	v36 =	vor.u32 v60, v61;
	v60 =	vld.idx.msk [tilespmem:v37+s12+$0x0], $0xffff  }
0x15f: {  	v47 =	vor.u32 v12, v58;
	v55 =	vor.u32 v3, v19;
	v61 =	vor.u32 v3, v56  }
0x160: {  	v37 =	vor.u32 v14, v32;
	v45 =	vmul.f32 $8.000000000e+00, v45;
	v32 =	vor.u32 v6, v19;
	[tilespmem:v44+s16+$0x0] =	vst.idx.msk $0xffff, v49  }
0x161: {  	v52 =	vor.u32 v11, v36;
	v49 =	vor.u32 v14, v34;
	v53 =	vld.idx.msk [tilespmem:v48+s12+$0x0], $0xffff;
	v62 =	vmul.f32 $8.000000000e+00, v51  }
0x162: {  	v34 =	vor.u32 v13, v23;
	v44 =	vor.u32 v13, v57;
	[tilespmem:v39+s16+$0x0] =	vst.idx.msk $0xffff, v45;
	v46 =	vmul.f32 $8.000000000e+00, v46  }
0x163: {  	v54 =	vmul.f32 $8.000000000e+00, v30;
	v30 =	vor.u32 v6, v21;
	v63 =	vmul.f32 $8.000000000e+00, v60;
	[tilespmem:v50+s16+$0x0] =	vst.idx.msk $0xffff, v62;
	v50 =	vld.idx.msk [tilespmem:v31+s12+$0x0], $0xffff  }
0x164: {  	v48 =	vor.u32 v12, v23;
	[tilespmem:v42+s16+$0x0] =	vst.idx.msk $0xffff, v46;
	v46 =	vor.u32 v6, v56;
	v56 =	vld.idx.msk [tilespmem:v59+s12+$0x0], $0xffff  }
0x165: {  	s22 =	simm.s32 $0x8;
	v45 =	vor.u32 v13, v58;
	v31 =	vor.u32 v13, v36;
	v51 =	vld.idx.msk [tilespmem:v38+s12+$0x0], $0xffff;
	[tilespmem:v61+s16+$0x0] =	vst.idx.msk $0xffff, v63  }
.LBB2_9:
0x166: {  	v57 =	vadd.s32 s22, v0;
	s24 =	sadd.s32 $0x1, s22;
	s25 =	sadd.s32 $0x2, s22;
	s23 =	sadd.s32 $0x3, s22;
	[tilespmem:v55+s16+$0x0] =	vst.idx.msk $0xffff, v54;
	v52 =	vld.idx.msk [tilespmem:v52+s12+$0x0], $0xffff;
	v54 =	vor.u32 v3, v22;
	v60 =	vmul.f32 $8.000000000e+00, v53  }
0x167: {  	p1 =	slt.u32 s22, $0xC;
	s22 =	sadd.s32 $0x4, s22;
	v58 =	vor.u32 v12, v36;
	v38 =	vmovc v25;
	v42 =	vmovc v36;
	v53 =	vadd.s32 s24, v0;
	v55 =	vadd.s32 s25, v0;
	v47 =	vld.idx.msk [tilespmem:v47+s12+$0x0], $0xffff  }
0x168: {  	v39 =	vmovc v40;
	v25 =	vand.u32 $0xF, v57;
	v36 =	vand.u32 $0xF, v53;
	v59 =	vand.u32 $0xF, v55;
	v37 =	vld.idx.msk [tilespmem:v37+s12+$0x0], $0xffff;
	[tilespmem:v35+s16+$0x0] =	vst.idx.msk $0xffff, v60  }
0x169: {  	v35 =	vmul.f32 $8.000000000e+00, v50;
	v40 =	vor.u32 v18, v36;
	v59 =	vor.u32 v18, v59;
	v36 =	vld.idx.msk [tilespmem:v49+s12+$0x0], $0xffff;
	v49 =	vmovc v41  }
0x16a: {  	v51 =	vmul.f32 $8.000000000e+00, v51;
	v41 =	vshrl.u32 v40, $0x3;
	v50 =	vshrl.u32 v59, $0x3;
	v60 =	vmovc v43  }
0x16b: {  	v41 =	vmul.u32 $0x1800, v41;
	v43 =	vmul.u32 $0x1800, v50;
	v50 =	vmul.f32 $8.000000000e+00, v56  }
0x16c: {  	v53 =	vshll.u32 v53, $0x7;
	v55 =	vshll.u32 v55, $0x7;
	v56 =	vor.u32 v10, v59;
	v33 =	vld.idx.msk [tilespmem:v33+s12+$0x0], $0xffff;
	[tilespmem:v16+s16+$0x0] =	vst.idx.msk $0xffff, v35  }
0x16d: {  	v35 =	vadd.s32 v15, v41;
	v41 =	vadd.s32 v15, v43;
	[tilespmem:v26+s16+$0x0] =	vst.idx.msk $0xffff, v50;
	v26 =	vmul.f32 $8.000000000e+00, v52  }
0x16e: {  	v16 =	vmovc v20;
	v43 =	vand.u32 $0x380, v53;
	v50 =	vand.u32 $0x380, v55;
	v37 =	vmul.f32 $8.000000000e+00, v37;
	v48 =	vld.idx.msk [tilespmem:v48+s12+$0x0], $0xffff;
	[tilespmem:v28+s16+$0x0] =	vst.idx.msk $0xffff, v51  }
0x16f: {  	v61 =	vor.u32 v43, v35;
	v51 =	vor.u32 v50, v41;
	[tilespmem:v54+s16+$0x0] =	vst.idx.msk $0xffff, v26;
	v26 =	vmul.f32 $8.000000000e+00, v36  }
0x170: {  	v20 =	vmovc v56;
	v28 =	vor.u32 v11, v61;
	v35 =	vor.u32 v11, v51;
	v36 =	vmul.f32 $8.000000000e+00, v47;
	v41 =	vld.idx.msk [tilespmem:v58+s12+$0x0], $0xffff  }
0x171: {  	v50 =	vor.u32 v18, v25;
	v43 =	vadd.s32 s23, v0;
	v25 =	vor.u32 v14, v51;
	[tilespmem:v17+s16+$0x0] =	vst.idx.msk $0xffff, v26  }
0x172: {  	v47 =	vand.u32 $0xF, v43;
	v43 =	vshll.u32 v43, $0x7;
	v26 =	vshrl.u32 v50, $0x3;
	v17 =	vmovc v24;
	[tilespmem:v27+s16+$0x0] =	vst.idx.msk $0xffff, v37  }
0x173: {  	v33 =	vmul.f32 $8.000000000e+00, v33;
	v24 =	vmul.u32 $0x1800, v26;
	v27 =	vor.u32 v18, v47;
	[tilespmem:v46+s16+$0x0] =	vst.idx.msk $0xffff, v36  }
0x174: {  	v26 =	vor.u32 v3, v50;
	v36 =	vshll.u32 v57, $0x7;
	v37 =	vshrl.u32 v27, $0x3;
	v45 =	vld.idx.msk [tilespmem:v45+s12+$0x0], $0xffff  }
0x175: {  	v46 =	vmul.f32 $8.000000000e+00, v48;
	v24 =	vadd.s32 v15, v24;
	v36 =	vand.u32 $0x380, v36;
	[tilespmem:v32+s16+$0x0] =	vst.idx.msk $0xffff, v33  }
0x176: {  	v32 =	vor.u32 v36, v24;
	v24 =	vmul.u32 $0x1800, v37;
	v48 =	vmul.f32 $8.000000000e+00, v41;
	v44 =	vld.idx.msk [tilespmem:v44+s12+$0x0], $0xffff  }
0x177: {  	v56 =	vor.u32 v11, v32;
	v53 =	vld.idx.msk [tilespmem:v28+s12+$0x0], $0xffff;
	v28 =	vand.u32 $0x380, v43;
	[tilespmem:v30+s16+$0x0] =	vst.idx.msk $0xffff, v46  }
0x178: {  	v30 =	vadd.s32 v15, v24;
	v24 =	vor.u32 v10, v27;
	v46 =	vor.u32 v8, v21;
	v34 =	vld.idx.msk [tilespmem:v34+s12+$0x0], $0xffff  }
0x179: {  	v33 =	vor.u32 v12, v61;
	v36 =	vor.u32 v28, v30;
	v57 =	vld.idx.msk [tilespmem:v35+s12+$0x0], $0xffff;
	v35 =	vor.u32 v8, v22  }
0x17a: {  	v58 =	vor.u32 v3, v59;
	v37 =	vor.u32 v14, v23;
	v52 =	vor.u32 v11, v36;
	v22 =	vmovc v27  }
0x17b: {  	v47 =	vor.u32 v12, v51;
	v23 =	vmovc v32;
	v28 =	vor.u32 v10, v19;
	v19 =	vmovc v40;
	v45 =	vmul.f32 $8.000000000e+00, v45  }
0x17c: {  	v41 =	vor.u32 v8, v59;
	v40 =	vor.u32 v14, v61;
	v30 =	vmul.f32 $8.000000000e+00, v44;
	[tilespmem:v29+s16+$0x0] =	vst.idx.msk $0xffff, v48  }
0x17d: {  	v43 =	vor.u32 v8, v19;
	v27 =	vor.u32 v10, v21;
	v21 =	vmovc v50;
	v54 =	vmul.f32 $8.000000000e+00, v53;
	v53 =	vld.idx.msk [tilespmem:v31+s12+$0x0], $0xffff  }
.Ltmp2:
0x17e: {  	v55 =	vor.u32 v3, v19;
	v32 =	vor.u32 v6, v19;
	v31 =	vmul.f32 $8.000000000e+00, v34;
	[tilespmem:v60+s16+$0x0] =	vst.idx.msk $0xffff, v30;
	(pc) =	sbr.rel @p1 .LBB2_9-.Ltmp2, $4  }
0x17f: {  	v30 =	vor.u32 v6, v21;
	v34 =	vmul.f32 $8.000000000e+00, v57;
	[tilespmem:v49+s16+$0x0] =	vst.idx.msk $0xffff, v45;
	v49 =	vor.u32 v14, v42  }
0x180: {  	v48 =	vor.u32 v12, v23;
	v29 =	vor.u32 v6, v22;
	[tilespmem:v46+s16+$0x0] =	vst.idx.msk $0xffff, v31;
	v50 =	vld.idx.msk [tilespmem:v38+s12+$0x0], $0xffff  }
0x181: {  	v45 =	vor.u32 v13, v51;
	v46 =	vor.u32 v6, v59;
	[tilespmem:v58+s16+$0x0] =	vst.idx.msk $0xffff, v34;
	v51 =	vld.idx.msk [tilespmem:v39+s12+$0x0], $0xffff  }
0x182: {  	v44 =	vor.u32 v13, v61;
	v31 =	vor.u32 v13, v36;
	v34 =	vor.u32 v13, v23;
	v56 =	vld.idx.msk [tilespmem:v56+s12+$0x0], $0xffff  }
0x183: {  	_ =	sdelay $0x3  }
0x184: {  	v18 =	vld.idx.msk [tilespmem:v52+s12+$0x0], $0xffff;
	_ =	sdelay $0x1  }
0x185: {  	v38 =	vor.u32 v3, v22  }
0x186: {  	v39 =	vor.u32 v12, v36  }
0x187: {  	v63 =	vmul.f32 $8.000000000e+00, v56  }
0x188: {  	[tilespmem:v55+s16+$0x0] =	vst.idx.msk $0xffff, v54;
	v42 =	vld.idx.msk [tilespmem:v47+s12+$0x0], $0xffff;
	v18 =	vmul.f32 $8.000000000e+00, v18  }
0x189: {  	v33 =	vld.idx.msk [tilespmem:v33+s12+$0x0], $0xffff;
	[tilespmem:v26+s16+$0x0] =	vst.idx.msk $0xffff, v63  }
0x18a: {  	[tilespmem:v38+s16+$0x0] =	vst.idx.msk $0xffff, v18;
	v26 =	vld.idx.msk [tilespmem:v48+s12+$0x0], $0xffff  }
0x18b: {  	v18 =	vld.idx.msk [tilespmem:v39+s12+$0x0], $0xffff;
	_ =	sdelay $0x1  }
0x18c: {  	v47 =	vmul.f32 $8.000000000e+00, v42  }
0x18d: {  	v33 =	vmul.f32 $8.000000000e+00, v33  }
0x18e: {  	[tilespmem:v46+s16+$0x0] =	vst.idx.msk $0xffff, v47;
	v26 =	vmul.f32 $8.000000000e+00, v26  }
0x18f: {  	v38 =	vld.idx.msk [tilespmem:v45+s12+$0x0], $0xffff;
	[tilespmem:v32+s16+$0x0] =	vst.idx.msk $0xffff, v33;
	v18 =	vmul.f32 $8.000000000e+00, v18  }
0x190: {  	v32 =	vld.idx.msk [tilespmem:v44+s12+$0x0], $0xffff;
	[tilespmem:v30+s16+$0x0] =	vst.idx.msk $0xffff, v26  }
0x191: {  	v48 =	vmul.f32 $8.000000000e+00, v53;
	[tilespmem:v29+s16+$0x0] =	vst.idx.msk $0xffff, v18;
	v52 =	vld.idx.msk [tilespmem:v34+s12+$0x0], $0xffff  }
0x192: {  	v18 =	vld.idx.msk [tilespmem:v31+s12+$0x0], $0xffff  }
0x193: {  	v54 =	vor.u32 v8, v21;
	v59 =	vmul.f32 $8.000000000e+00, v50;
	[tilespmem:v35+s16+$0x0] =	vst.idx.msk $0xffff, v48  }
0x194: {  	v23 =	vor.u32 v14, v23;
	v53 =	vor.u32 v8, v22;
	v57 =	vld.idx.msk [tilespmem:v49+s12+$0x0], $0xffff;
	v55 =	vmul.f32 $8.000000000e+00, v38  }
0x195: {  	v56 =	vor.u32 v14, v36;
	[tilespmem:v16+s16+$0x0] =	vst.idx.msk $0xffff, v59;
	v32 =	vmul.f32 $8.000000000e+00, v32  }
0x196: {  	v58 =	vld.idx.msk [tilespmem:v37+s12+$0x0], $0xffff;
	[tilespmem:v41+s16+$0x0] =	vst.idx.msk $0xffff, v55;
	v29 =	vmul.f32 $8.000000000e+00, v52  }
0x197: {  	[tilespmem:v43+s16+$0x0] =	vst.idx.msk $0xffff, v32;
	v25 =	vld.idx.msk [tilespmem:v25+s12+$0x0], $0xffff;
	v18 =	vmul.f32 $8.000000000e+00, v18  }
0x198: {  	v32 =	vld.idx.msk [tilespmem:v40+s12+$0x0], $0xffff;
	[tilespmem:v54+s16+$0x0] =	vst.idx.msk $0xffff, v29  }
0x199: {  	v16 =	vmul.f32 $8.000000000e+00, v57;
	[tilespmem:v53+s16+$0x0] =	vst.idx.msk $0xffff, v18;
	v23 =	vld.idx.msk [tilespmem:v23+s12+$0x0], $0xffff  }
0x19a: {  	v19 =	vor.u32 v10, v19;
	v60 =	vmul.f32 $8.000000000e+00, v51;
	v22 =	vld.idx.msk [tilespmem:v56+s12+$0x0], $0xffff  }
0x19b: {  	s21 =	sadd.s32 $0x1, s21;
	v61 =	vmul.f32 $8.000000000e+00, v58;
	[tilespmem:v17+s16+$0x0] =	vst.idx.msk $0xffff, v16;
	v16 =	vor.u32 v10, v21  }
0x19c: {  	p1 =	sne.s32 s21, $0x8;
	[tilespmem:v28+s16+$0x0] =	vst.idx.msk $0xffff, v60;
	v17 =	vmul.f32 $8.000000000e+00, v25  }
.Ltmp3:
0x19d: {  	[tilespmem:v27+s16+$0x0] =	vst.idx.msk $0xffff, v61;
	v62 =	vmul.f32 $8.000000000e+00, v32;
	(pc) =	sbr.rel @p1 .LBB2_8-.Ltmp3, $4  }
0x19e: {  	[tilespmem:v20+s16+$0x0] =	vst.idx.msk $0xffff, v17;
	v63 =	vmul.f32 $8.000000000e+00, v23  }
0x19f: {  	[tilespmem:v19+s16+$0x0] =	vst.idx.msk $0xffff, v62;
	v17 =	vmul.f32 $8.000000000e+00, v22  }
0x1a0: {  	[tilespmem:v16+s16+$0x0] =	vst.idx.msk $0xffff, v63  }
0x1a1: {  	[tilespmem:v24+s16+$0x0] =	vst.idx.msk $0xffff, v17  }
0x1a2: {  	s18 =	sadd.s32 $0x1, s18  }
0x1a3: {  	p1 =	sne.s32 s18, $0x6  }
.Ltmp4:
0x1a4: {  	s19 =	sshll.u32 s19, $0x11;
	(pc) =	sbr.rel @p1 .LBB2_3-.Ltmp4, $4  }
0x1a5: {  	s19 =	sadd.s32 s9, s19  }
0x1a6: {  	s19 =	sshrl.u32 s19, $0x3  }
0x1a7: {  	s19 =	sadd.s32 s19, s17  }
0x1a8: {  	[hbm4b:s19+s14] =	stream.strided.scatter [tilespmem:s16], [sflag:$0x3], $0x2000, s15, s14, $0x38;
	[tilespmem:$0x1C100] =	vst v63  }
.Ltmp5:
0x1a9: {  	(pc) =	sbr.rel @p0 .LBB2_2-.Ltmp5, $2  }
0x1aa: {  	_ =	sdelay $0x2  }
0x1ab: {  	s17 =	simm.s32 $0x80;
	p1 =	por $0x0, $0x0;
	p2 =	por $0x1, $0x1  }
0x1ac: {  	s17 =	simm.s32 $0x2  }
0x1ad: {  	_ =	swait.ge [sflag:s17], $0x2000  }
0x1ae: {  	[sflag:s17] =	ssyncset.done $0x0  }
0x1af: {  	s18 =	simm.s32 $0x3;
	[sflag:s17] =	ssyncadd.s32 $0xFFFFE000  }
0x1b0: {  	_ =	swait.ge [sflag:s18], $0x2000  }
0x1b1: {  	s19 =	rddreg [dreg:$0x6]  }
0x1b2: {  	s25 =	rddreg [dreg:$0x5];
	s19 =	sadd.s32 $0x1, s19  }
0x1b3: {  	p0 =	sne.s32 s19, s25  }
.Ltmp6:
0x1b4: {  	_ = 	snop;
	(pc) =	sbr.rel @p0 .LBB2_1-.Ltmp6, $3  }
0x1b5: {  	_ =	sdelay $0x1  }
0x1b6: {  	[sflag:s18] =	ssyncset.done $0x0  }
0x1b7: {  	[sflag:s18] =	ssyncadd.s32 $0xFFFFE000  }
0x1b8: {  	_ =	sfence.sel $0x180000  }
0x1b9: {  	[bflag:$0x0] =	sbarrier.arrive $0xFFFF  }
0x1ba: {  	_ =	strace $0x90000047  }
0x1bb: {  	s0 =	stileid.u32;
	[bflag:$0x2] =	sbarrier.arrive $0xFFFF  }
0x1bc: {  	p0 =	sne.s32 s0, $0x0;
	s0 =	rddreg [dreg:$0x3]  }
0x1bd: {  	s0 =	sadd.s32 @!p0 $0x100000, s0  }
0x1be: {  	[sflag:s0] =	ssyncadd.tile.s32 @!p0 $0x1;
	_ =	shalt  }
.Lfunc_end2:
_tile_overlayer_lowered:
.L_overlay_start_2:
0x1bf: {  	(tag) =	ssettag $0x2  }
0x1c0: {  	s0 =	rddreg [dreg:$0x0];
	s2 =	stileid.u32  }
0x1c1: {  	s1 =	rddreg [dreg:$0x1];
	p0 =	sne.s32 s2, $0x0  }
0x1c2: {  	s3 =	rddreg [dreg:$0x2];
	[bflag:$0x3] =	sbarrier.arrive $0xFFFF;
	s2 =	simm.s32 @!p0 $0x1C04  }
0x1c3: {  	[timem:s3], [sflag:s2] =	dma.local @!p0 [hbm:s0], s1  }
0x1c4: {  	s0 =	simm.s32 @!p0 $0x4  }
0x1c5: {  	_ =	swait.ge @!p0 [sflag:s0], s1  }
0x1c6: {  	s1 =	ssub.s32 @!p0 $0x0, s1;
	[sflag:s0] =	ssyncset.done @!p0 $0x0  }
0x1c7: {  	[sflag:s0] =	ssyncadd.s32 @!p0 s1  }
0x1c8: {  	[bflag:$0x3] =	sbarrier.arrive $0xFFFF  }
0x1c9: {  	_ =	shalt  }

</sc_bundles>
